<compile_context>
chip_gen: v7x
topology: tpu7x:2x2x1
jax: 0.10.2.dev20260603
libtpu: 0.0.44.dev20260713+nightly
codegen_flags: <defaults>
</compile_context>

<pallas_src>
import functools

import jax
import jax.numpy as jnp
from jax import lax
from jax.experimental import pallas as pl
from jax.experimental.pallas import tpu as pltpu
from jax.experimental.pallas import tpu_sc as plsc

_NC = 2
_NS = 16
_NW = _NC * _NS


def _sc_gather_add(x, idx, table):
    B, S, D = x.shape
    V, _ = table.shape
    n_per_w = (B * S) // _NW
    R = 16
    n_chunks = n_per_w // R
    mesh = plsc.VectorSubcoreMesh(core_axis_name="c", subcore_axis_name="s")

    @functools.partial(
        pl.kernel, mesh=mesh,
        out_type=jax.ShapeDtypeStruct((B, S, D), jnp.float32),
        scratch_types=[
            pltpu.VMEM((n_per_w,), jnp.int32),
            pltpu.VMEM((2, R, D), jnp.float32),
            pltpu.VMEM((2, R, D), jnp.float32),
            pltpu.VMEM((2, R, D), jnp.float32),
            pltpu.SemaphoreType.DMA,
            pltpu.SemaphoreType.DMA,
            pltpu.SemaphoreType.DMA,
            pltpu.SemaphoreType.DMA,
            pltpu.SemaphoreType.DMA,
            pltpu.SemaphoreType.DMA,
        ],
    )
    def k(x_hbm, idx_hbm, table_hbm, out_hbm, idx_v, pe_v, x_v, o_v,
          gs0, gs1, xs0, xs1, os0, os1):
        gsem = (gs0, gs1)
        xsem = (xs0, xs1)
        osem = (os0, os1)
        wid = lax.axis_index("s") * _NC + lax.axis_index("c")
        bi = wid // (S // n_per_w)
        soff = (wid % (S // n_per_w)) * n_per_w
        def start_fetch(c, b):
            pltpu.async_copy(
                table_hbm.at[idx_v.at[pl.ds(c * R, R)]], pe_v.at[b], gsem[b])
            pltpu.async_copy(
                x_hbm.at[bi, pl.ds(soff + c * R, R)], x_v.at[b], xsem[b])

        def start_x(c, b):
            pltpu.async_copy(
                x_hbm.at[bi, pl.ds(soff + c * R, R)], x_v.at[b], xsem[b])

        def start_gather(c, b):
            pltpu.async_copy(
                table_hbm.at[idx_v.at[pl.ds(c * R, R)]], pe_v.at[b], gsem[b])

        def wait_fetch(b):
            pltpu.make_async_copy(
                table_hbm.at[pl.ds(0, R)], pe_v.at[b], gsem[b]).wait()
            pltpu.make_async_copy(
                x_hbm.at[0, pl.ds(0, R)], x_v.at[b], xsem[b]).wait()

        def wait_out(b):
            pltpu.make_async_copy(
                o_v.at[b], out_hbm.at[0, pl.ds(0, R)], osem[b]).wait()

        start_x(0, 0)
        start_x(1, 1)
        pltpu.sync_copy(idx_hbm.at[bi, pl.ds(soff, n_per_w)], idx_v)
        start_gather(0, 0)
        start_gather(1, 1)

        @pl.loop(0, n_chunks, step=2)
        def _(c):
            for b in range(2):
                cc = c + b
                wait_fetch(b)

                @pl.when(cc >= 2)
                def _():
                    wait_out(b)

                @pl.loop(0, R)
                def _(r):
                    @pl.loop(0, D, step=64)
                    def _(col):
                        for u in range(4):
                            s = pl.ds(col + u * 16, 16)
                            o_v.at[b, r, s][...] = (
                                pe_v.at[b, r, s][...] + x_v.at[b, r, s][...])

                pltpu.async_copy(
                    o_v.at[b], out_hbm.at[bi, pl.ds(soff + cc * R, R)],
                    osem[b])

                @pl.when(cc + 2 < n_chunks)
                def _():
                    start_fetch(cc + 2, b)

        wait_out(0)
        wait_out(1)

    return k(x, idx, table)


def kernel(x, position_indices, pe_table):
    return _sc_gather_add(x, position_indices.astype(jnp.int32), pe_table)

# --- scband reference (transcript-rebuilt; emitter-appended) ---
"""Pipeline reference for scband-compound-positional-encoding-28346784154141 (READ-ONLY COPY).

The authoritative reference and input builder live on the scoring server;
editing this copy changes nothing except your own understanding.
"""

import jax, jax.numpy as jnp
import numpy as np

B = 4
S = 4096
D_MODEL = 1024
MAX_LEN = 8192


def setup_inputs(seed: int = 0) -> dict:
    key = jax.random.key(seed)
    k1, k2, k3 = jax.random.split(key, 3)
    x = jax.random.normal(k1, (B, S, D_MODEL), dtype=jnp.float32)
    position_indices = jax.random.randint(k2, (B, S), 0, MAX_LEN)
    # learned positional embedding table; padding_idx=0 -> row 0 is zeros
    pe_table = jax.random.normal(k3, (MAX_LEN, D_MODEL), dtype=jnp.float32) * 0.02
    pe_table = pe_table.at[0].set(0.0)
    return {"x": x, "position_indices": position_indices, "pe_table": pe_table}


def reference(x, position_indices, pe_table):
    # pe = self.pe(position_indices)  (embedding lookup)
    pe = jnp.take(pe_table, position_indices, axis=0)
    # x = x + pe
    return x + pe

if __name__ == "__main__":
    import jax
    _d = setup_inputs()
    print(jax.jit(kernel)(*tuple(_d.values())))

</pallas_src>

<mosaic_0001>
#map = affine_map<(d0, d1) -> (0, 0, 0)>
#map1 = affine_map<(d0, d1) -> (0, 0)>
module attributes {stable_mosaic.version = 14 : i64} {
  func.func @k(%arg0: i32, %arg1: i32, %arg2: memref<4x4096x1024xf32, #tpu.memory_space<hbm>>, %arg3: memref<4x4096xi32, #tpu.memory_space<hbm>>, %arg4: memref<8192x1024xf32, #tpu.memory_space<hbm>>, %arg5: memref<4x4096x1024xf32, #tpu.memory_space<hbm>>, %arg6: memref<512xi32, #tpu.memory_space<vmem>>, %arg7: memref<2x16x1024xf32, #tpu.memory_space<vmem>>, %arg8: memref<2x16x1024xf32, #tpu.memory_space<vmem>>, %arg9: memref<2x16x1024xf32, #tpu.memory_space<vmem>>, %arg10: memref<!tpu.dma_semaphore, #tpu.memory_space<semaphore_mem>>, %arg11: memref<!tpu.dma_semaphore, #tpu.memory_space<semaphore_mem>>, %arg12: memref<!tpu.dma_semaphore, #tpu.memory_space<semaphore_mem>>, %arg13: memref<!tpu.dma_semaphore, #tpu.memory_space<semaphore_mem>>, %arg14: memref<!tpu.dma_semaphore, #tpu.memory_space<semaphore_mem>>, %arg15: memref<!tpu.dma_semaphore, #tpu.memory_space<semaphore_mem>>) attributes {dimension_semantics = [#tpu.dimension_semantics<core_parallel>, #tpu.dimension_semantics<subcore_parallel>], iteration_bounds = array<i64: 2, 16>, scalar_prefetch = 0 : i64, scratch_operands = 10 : i64, tpu.core_type = #tpu.core_type<sc_vector_subcore>, window_params = [{transform_indices = #map}, {transform_indices = #map1}, {transform_indices = #map1}, {transform_indices = #map}]} {
    %mul3A = arith.constant 2 : i32
    %mul3A_0 = arith.muli %arg1, %mul3A : i32
    %add3A = arith.addi %mul3A_0, %arg0 : i32
    %jit3A = arith.constant 8 : i32
    %div3A = arith.divsi %add3A, %jit3A : i32
    %sign3A = arith.constant 0 : i32
    %sign3A_1 = arith.cmpi sgt, %add3A, %sign3A : i32
    %sign3A_2 = arith.extui %sign3A_1 : i1 to i32
    %sign3A_3 = arith.constant 0 : i32
    %sign3A_4 = arith.cmpi slt, %add3A, %sign3A_3 : i32
    %sign3A_5 = arith.extui %sign3A_4 : i1 to i32
    %sign3A_6 = arith.subi %sign3A_2, %sign3A_5 : i32
    %sign3A_7 = arith.constant 0 : i32
    %sign3A_8 = arith.cmpi sgt, %jit3A, %sign3A_7 : i32
    %sign3A_9 = arith.extui %sign3A_8 : i1 to i32
    %sign3A_10 = arith.constant 0 : i32
    %sign3A_11 = arith.cmpi slt, %jit3A, %sign3A_10 : i32
    %sign3A_12 = arith.extui %sign3A_11 : i1 to i32
    %sign3A_13 = arith.subi %sign3A_9, %sign3A_12 : i32
    %ne3A = arith.cmpi ne, %sign3A_6, %sign3A_13 : i32
    %rem3A = arith.remsi %add3A, %jit3A : i32
    %ne3A_14 = arith.constant 0 : i32
    %ne3A_15 = arith.cmpi ne, %rem3A, %ne3A_14 : i32
    %and3A = arith.andi %ne3A, %ne3A_15 : i1
    %sub3A = arith.constant 1 : i32
    %sub3A_16 = arith.subi %div3A, %sub3A : i32
    %select_n3A = arith.select %and3A, %sub3A_16, %div3A : i32
    %jit3A_17 = arith.constant 8 : i32
    %eq3A = arith.constant 0 : i32
    %eq3A_18 = arith.cmpi eq, %jit3A_17, %eq3A : i32
    %jit3A_19 = arith.constant 1 : i32
    %select_n3A_20 = arith.select %eq3A_18, %jit3A_19, %jit3A_17 : i32
    %rem3A_21 = arith.remsi %add3A, %select_n3A_20 : i32
    %ne3A_22 = arith.constant 0 : i32
    %ne3A_23 = arith.cmpi ne, %rem3A_21, %ne3A_22 : i32
    %lt3A = arith.constant 0 : i32
    %lt3A_24 = arith.cmpi slt, %rem3A_21, %lt3A : i32
    %lt3A_25 = arith.constant 0 : i32
    %lt3A_26 = arith.cmpi slt, %select_n3A_20, %lt3A_25 : i32
    %ne3A_27 = arith.xori %lt3A_24, %lt3A_26 : i1
    %and3A_28 = arith.andi %ne3A_27, %ne3A_23 : i1
    %add3A_29 = arith.addi %rem3A_21, %select_n3A_20 : i32
    %select_n3A_30 = arith.select %and3A_28, %add3A_29, %rem3A_21 : i32
    %mul3A_31 = arith.constant 512 : i32
    %mul3A_32 = arith.muli %select_n3A_30, %mul3A_31 : i32
    %add3A_33 = arith.constant 0 : i32
    %add3A_34 = arith.addi %mul3A_32, %add3A_33 : i32
    %dma_start3A = arith.constant 0 : i32
    %dma_start3A_35 = arith.constant 0 : i32
    %dma_start3A_36 = arith.constant 0 : i32
    %dma_start3A_37 = tpu.memref_slice %arg8[%dma_start3A, %dma_start3A_35, %dma_start3A_36] : memref<2x16x1024xf32, #tpu.memory_space<vmem>> -> memref<1x16x1024xf32, #tpu.memory_space<vmem>>
    %dma_start3A_38 = tpu.memref_squeeze %dma_start3A_37 : memref<1x16x1024xf32, #tpu.memory_space<vmem>> -> memref<16x1024xf32, #tpu.memory_space<vmem>>
    %dma_start3A_39 = arith.constant 0 : i32
    %dma_start3A_40 = tpu.memref_slice %arg2[%select_n3A, %add3A_34, %dma_start3A_39] : memref<4x4096x1024xf32, #tpu.memory_space<hbm>> -> memref<1x16x1024xf32, #tpu.memory_space<hbm>>
    %dma_start3A_41 = tpu.memref_squeeze %dma_start3A_40 : memref<1x16x1024xf32, #tpu.memory_space<hbm>> -> memref<16x1024xf32, #tpu.memory_space<hbm>>
    %dma_start3A_42 = arith.constant 0 : i32
    %dma_start3A_43 = arith.constant 0 : i32
    %dma_start3A_44 = tpu.memref_slice %arg8[%dma_start3A, %dma_start3A_42, %dma_start3A_43] : memref<2x16x1024xf32, #tpu.memory_space<vmem>> -> memref<1x16x1024xf32, #tpu.memory_space<vmem>>
    %dma_start3A_45 = tpu.memref_squeeze %dma_start3A_44 : memref<1x16x1024xf32, #tpu.memory_space<vmem>> -> memref<16x1024xf32, #tpu.memory_space<vmem>>
    %dma_start3A_46 = arith.constant 0 : i32
    %dma_start3A_47 = tpu.memref_slice %arg2[%select_n3A, %add3A_34, %dma_start3A_46] : memref<4x4096x1024xf32, #tpu.memory_space<hbm>> -> memref<1x16x1024xf32, #tpu.memory_space<hbm>>
    %dma_start3A_48 = tpu.memref_squeeze %dma_start3A_47 : memref<1x16x1024xf32, #tpu.memory_space<hbm>> -> memref<16x1024xf32, #tpu.memory_space<hbm>>
    tpu.enqueue_dma source(%dma_start3A_48 : memref<16x1024xf32, #tpu.memory_space<hbm>>) target(%dma_start3A_45 : memref<16x1024xf32, #tpu.memory_space<vmem>>) target_semaphore(%arg12 : memref<!tpu.dma_semaphore, #tpu.memory_space<semaphore_mem>>)
    %add3A_49 = arith.constant 16 : i32
    %add3A_50 = arith.addi %mul3A_32, %add3A_49 : i32
    %dma_start3A_51 = arith.constant 1 : i32
    %dma_start3A_52 = arith.constant 0 : i32
    %dma_start3A_53 = arith.constant 0 : i32
    %dma_start3A_54 = tpu.memref_slice %arg8[%dma_start3A_51, %dma_start3A_52, %dma_start3A_53] : memref<2x16x1024xf32, #tpu.memory_space<vmem>> -> memref<1x16x1024xf32, #tpu.memory_space<vmem>>
    %dma_start3A_55 = tpu.memref_squeeze %dma_start3A_54 : memref<1x16x1024xf32, #tpu.memory_space<vmem>> -> memref<16x1024xf32, #tpu.memory_space<vmem>>
    %dma_start3A_56 = arith.constant 0 : i32
    %dma_start3A_57 = tpu.memref_slice %arg2[%select_n3A, %add3A_50, %dma_start3A_56] : memref<4x4096x1024xf32, #tpu.memory_space<hbm>> -> memref<1x16x1024xf32, #tpu.memory_space<hbm>>
    %dma_start3A_58 = tpu.memref_squeeze %dma_start3A_57 : memref<1x16x1024xf32, #tpu.memory_space<hbm>> -> memref<16x1024xf32, #tpu.memory_space<hbm>>
    %dma_start3A_59 = arith.constant 0 : i32
    %dma_start3A_60 = arith.constant 0 : i32
    %dma_start3A_61 = tpu.memref_slice %arg8[%dma_start3A_51, %dma_start3A_59, %dma_start3A_60] : memref<2x16x1024xf32, #tpu.memory_space<vmem>> -> memref<1x16x1024xf32, #tpu.memory_space<vmem>>
    %dma_start3A_62 = tpu.memref_squeeze %dma_start3A_61 : memref<1x16x1024xf32, #tpu.memory_space<vmem>> -> memref<16x1024xf32, #tpu.memory_space<vmem>>
    %dma_start3A_63 = arith.constant 0 : i32
    %dma_start3A_64 = tpu.memref_slice %arg2[%select_n3A, %add3A_50, %dma_start3A_63] : memref<4x4096x1024xf32, #tpu.memory_space<hbm>> -> memref<1x16x1024xf32, #tpu.memory_space<hbm>>
    %dma_start3A_65 = tpu.memref_squeeze %dma_start3A_64 : memref<1x16x1024xf32, #tpu.memory_space<hbm>> -> memref<16x1024xf32, #tpu.memory_space<hbm>>
    tpu.enqueue_dma source(%dma_start3A_65 : memref<16x1024xf32, #tpu.memory_space<hbm>>) target(%dma_start3A_62 : memref<16x1024xf32, #tpu.memory_space<vmem>>) target_semaphore(%arg13 : memref<!tpu.dma_semaphore, #tpu.memory_space<semaphore_mem>>)
    "tpu.region"() ({
      %run_scoped3A = tpu.sem_alloc : memref<!tpu.dma_semaphore, #tpu.memory_space<semaphore_mem>>
      %dma_start3A_125 = tpu.memref_slice %arg3[%select_n3A, %mul3A_32] : memref<4x4096xi32, #tpu.memory_space<hbm>> -> memref<1x512xi32, #tpu.memory_space<hbm>>
      %dma_start3A_126 = tpu.memref_squeeze %dma_start3A_125 : memref<1x512xi32, #tpu.memory_space<hbm>> -> memref<512xi32, #tpu.memory_space<hbm>>
      %dma_start3A_127 = tpu.memref_slice %arg3[%select_n3A, %mul3A_32] : memref<4x4096xi32, #tpu.memory_space<hbm>> -> memref<1x512xi32, #tpu.memory_space<hbm>>
      %dma_start3A_128 = tpu.memref_squeeze %dma_start3A_127 : memref<1x512xi32, #tpu.memory_space<hbm>> -> memref<512xi32, #tpu.memory_space<hbm>>
      tpu.enqueue_dma source(%dma_start3A_128 : memref<512xi32, #tpu.memory_space<hbm>>) target(%arg6 : memref<512xi32, #tpu.memory_space<vmem>>) target_semaphore(%run_scoped3A : memref<!tpu.dma_semaphore, #tpu.memory_space<semaphore_mem>>)
      %dma_wait3A_129 = tpu.memref_slice %arg3[%select_n3A, %mul3A_32] : memref<4x4096xi32, #tpu.memory_space<hbm>> -> memref<1x512xi32, #tpu.memory_space<hbm>>
      %dma_wait3A_130 = tpu.memref_squeeze %dma_wait3A_129 : memref<1x512xi32, #tpu.memory_space<hbm>> -> memref<512xi32, #tpu.memory_space<hbm>>
      %dma_wait3A_131 = tpu.memref_slice %arg3[%select_n3A, %mul3A_32] : memref<4x4096xi32, #tpu.memory_space<hbm>> -> memref<1x512xi32, #tpu.memory_space<hbm>>
      %dma_wait3A_132 = tpu.memref_squeeze %dma_wait3A_131 : memref<1x512xi32, #tpu.memory_space<hbm>> -> memref<512xi32, #tpu.memory_space<hbm>>
      tpu.wait_dma2 semaphore(%run_scoped3A : memref<!tpu.dma_semaphore, #tpu.memory_space<semaphore_mem>>) src(%dma_wait3A_132 : memref<512xi32, #tpu.memory_space<hbm>>) dst(%arg6 : memref<512xi32, #tpu.memory_space<vmem>>)
      tpu.yield
    }) : () -> ()
    %dma_start3A_66 = arith.constant 0 : i32
    %dma_start3A_67 = arith.constant 0 : i32
    %dma_start3A_68 = arith.constant 0 : i32
    %dma_start3A_69 = tpu.memref_slice %arg7[%dma_start3A_66, %dma_start3A_67, %dma_start3A_68] : memref<2x16x1024xf32, #tpu.memory_space<vmem>> -> memref<1x16x1024xf32, #tpu.memory_space<vmem>>
    %dma_start3A_70 = tpu.memref_squeeze %dma_start3A_69 : memref<1x16x1024xf32, #tpu.memory_space<vmem>> -> memref<16x1024xf32, #tpu.memory_space<vmem>>
    %dma_start3A_71 = arith.constant 0 : i32
    %dma_start3A_72 = tpu.memref_slice %arg6[%dma_start3A_71] : memref<512xi32, #tpu.memory_space<vmem>> -> memref<16xi32, #tpu.memory_space<vmem>>
    %dma_start3A_73 = arith.constant 0 : i32
    %dma_start3A_74 = arith.constant 0 : i32
    %dma_start3A_75 = tpu.memref_slice %arg4[%dma_start3A_73, %dma_start3A_74] : memref<8192x1024xf32, #tpu.memory_space<hbm>> -> memref<8192x1024xf32, #tpu.memory_space<hbm>>
    tpu.enqueue_indirect_dma source(%dma_start3A_75 : memref<8192x1024xf32, #tpu.memory_space<hbm>>) target(%dma_start3A_70 : memref<16x1024xf32, #tpu.memory_space<vmem>>) offsets(%dma_start3A_72 : memref<16xi32, #tpu.memory_space<vmem>>) semaphore(%arg10 : memref<!tpu.dma_semaphore, #tpu.memory_space<semaphore_mem>>)
    %dma_start3A_76 = arith.constant 1 : i32
    %dma_start3A_77 = arith.constant 0 : i32
    %dma_start3A_78 = arith.constant 0 : i32
    %dma_start3A_79 = tpu.memref_slice %arg7[%dma_start3A_76, %dma_start3A_77, %dma_start3A_78] : memref<2x16x1024xf32, #tpu.memory_space<vmem>> -> memref<1x16x1024xf32, #tpu.memory_space<vmem>>
    %dma_start3A_80 = tpu.memref_squeeze %dma_start3A_79 : memref<1x16x1024xf32, #tpu.memory_space<vmem>> -> memref<16x1024xf32, #tpu.memory_space<vmem>>
    %dma_start3A_81 = arith.constant 16 : i32
    %dma_start3A_82 = tpu.memref_slice %arg6[%dma_start3A_81] : memref<512xi32, #tpu.memory_space<vmem>> -> memref<16xi32, #tpu.memory_space<vmem>>
    %dma_start3A_83 = arith.constant 0 : i32
    %dma_start3A_84 = arith.constant 0 : i32
    %dma_start3A_85 = tpu.memref_slice %arg4[%dma_start3A_83, %dma_start3A_84] : memref<8192x1024xf32, #tpu.memory_space<hbm>> -> memref<8192x1024xf32, #tpu.memory_space<hbm>>
    tpu.enqueue_indirect_dma source(%dma_start3A_85 : memref<8192x1024xf32, #tpu.memory_space<hbm>>) target(%dma_start3A_80 : memref<16x1024xf32, #tpu.memory_space<vmem>>) offsets(%dma_start3A_82 : memref<16xi32, #tpu.memory_space<vmem>>) semaphore(%arg11 : memref<!tpu.dma_semaphore, #tpu.memory_space<semaphore_mem>>)
    %scan3A = arith.constant 0 : i32
    %scan3A_86 = arith.constant 16 : i32
    %scan3A_87 = arith.addi %scan3A, %scan3A_86 : i32
    %scan3A_88 = arith.constant 1 : i32
    scf.for %scan3A_125 = %scan3A to %scan3A_87 step %scan3A_88  : i32 {
      %mul3A_126 = arith.constant 2 : i32
      %mul3A_127 = arith.muli %scan3A_125, %mul3A_126 : i32
      %add3A_128 = arith.constant 0 : i32
      %add3A_129 = arith.addi %add3A_128, %mul3A_127 : i32
      %add3A_130 = arith.constant 0 : i32
      %add3A_131 = arith.addi %add3A_129, %add3A_130 : i32
      %dma_wait3A_132 = arith.constant 0 : i32
      %dma_wait3A_133 = arith.constant 0 : i32
      %dma_wait3A_134 = arith.constant 0 : i32
      %dma_wait3A_135 = tpu.memref_slice %arg7[%dma_wait3A_132, %dma_wait3A_133, %dma_wait3A_134] : memref<2x16x1024xf32, #tpu.memory_space<vmem>> -> memref<1x16x1024xf32, #tpu.memory_space<vmem>>
      %dma_wait3A_136 = tpu.memref_squeeze %dma_wait3A_135 : memref<1x16x1024xf32, #tpu.memory_space<vmem>> -> memref<16x1024xf32, #tpu.memory_space<vmem>>
      %dma_wait3A_137 = arith.constant 0 : i32
      %dma_wait3A_138 = arith.constant 0 : i32
      %dma_wait3A_139 = tpu.memref_slice %arg4[%dma_wait3A_137, %dma_wait3A_138] : memref<8192x1024xf32, #tpu.memory_space<hbm>> -> memref<16x1024xf32, #tpu.memory_space<hbm>>
      %dma_wait3A_140 = arith.constant 0 : i32
      %dma_wait3A_141 = arith.constant 0 : i32
      %dma_wait3A_142 = tpu.memref_slice %arg7[%dma_wait3A_132, %dma_wait3A_140, %dma_wait3A_141] : memref<2x16x1024xf32, #tpu.memory_space<vmem>> -> memref<1x16x1024xf32, #tpu.memory_space<vmem>>
      %dma_wait3A_143 = tpu.memref_squeeze %dma_wait3A_142 : memref<1x16x1024xf32, #tpu.memory_space<vmem>> -> memref<16x1024xf32, #tpu.memory_space<vmem>>
      %dma_wait3A_144 = arith.constant 0 : i32
      %dma_wait3A_145 = arith.constant 0 : i32
      %dma_wait3A_146 = tpu.memref_slice %arg4[%dma_wait3A_144, %dma_wait3A_145] : memref<8192x1024xf32, #tpu.memory_space<hbm>> -> memref<16x1024xf32, #tpu.memory_space<hbm>>
      tpu.wait_dma2 semaphore(%arg10 : memref<!tpu.dma_semaphore, #tpu.memory_space<semaphore_mem>>) src(%dma_wait3A_146 : memref<16x1024xf32, #tpu.memory_space<hbm>>) dst(%dma_wait3A_143 : memref<16x1024xf32, #tpu.memory_space<vmem>>)
      %dma_wait3A_147 = arith.constant 0 : i32
      %dma_wait3A_148 = arith.constant 0 : i32
      %dma_wait3A_149 = arith.constant 0 : i32
      %dma_wait3A_150 = arith.constant 0 : i32
      %dma_wait3A_151 = tpu.memref_slice %arg8[%dma_wait3A_148, %dma_wait3A_149, %dma_wait3A_150] : memref<2x16x1024xf32, #tpu.memory_space<vmem>> -> memref<1x16x1024xf32, #tpu.memory_space<vmem>>
      %dma_wait3A_152 = tpu.memref_squeeze %dma_wait3A_151 : memref<1x16x1024xf32, #tpu.memory_space<vmem>> -> memref<16x1024xf32, #tpu.memory_space<vmem>>
      %dma_wait3A_153 = arith.constant 0 : i32
      %dma_wait3A_154 = arith.constant 0 : i32
      %dma_wait3A_155 = tpu.memref_slice %arg2[%dma_wait3A_147, %dma_wait3A_153, %dma_wait3A_154] : memref<4x4096x1024xf32, #tpu.memory_space<hbm>> -> memref<1x16x1024xf32, #tpu.memory_space<hbm>>
      %dma_wait3A_156 = tpu.memref_squeeze %dma_wait3A_155 : memref<1x16x1024xf32, #tpu.memory_space<hbm>> -> memref<16x1024xf32, #tpu.memory_space<hbm>>
      %dma_wait3A_157 = arith.constant 0 : i32
      %dma_wait3A_158 = arith.constant 0 : i32
      %dma_wait3A_159 = tpu.memref_slice %arg8[%dma_wait3A_148, %dma_wait3A_157, %dma_wait3A_158] : memref<2x16x1024xf32, #tpu.memory_space<vmem>> -> memref<1x16x1024xf32, #tpu.memory_space<vmem>>
      %dma_wait3A_160 = tpu.memref_squeeze %dma_wait3A_159 : memref<1x16x1024xf32, #tpu.memory_space<vmem>> -> memref<16x1024xf32, #tpu.memory_space<vmem>>
      %dma_wait3A_161 = arith.constant 0 : i32
      %dma_wait3A_162 = arith.constant 0 : i32
      %dma_wait3A_163 = tpu.memref_slice %arg2[%dma_wait3A_147, %dma_wait3A_161, %dma_wait3A_162] : memref<4x4096x1024xf32, #tpu.memory_space<hbm>> -> memref<1x16x1024xf32, #tpu.memory_space<hbm>>
      %dma_wait3A_164 = tpu.memref_squeeze %dma_wait3A_163 : memref<1x16x1024xf32, #tpu.memory_space<hbm>> -> memref<16x1024xf32, #tpu.memory_space<hbm>>
      tpu.wait_dma2 semaphore(%arg12 : memref<!tpu.dma_semaphore, #tpu.memory_space<semaphore_mem>>) src(%dma_wait3A_164 : memref<16x1024xf32, #tpu.memory_space<hbm>>) dst(%dma_wait3A_160 : memref<16x1024xf32, #tpu.memory_space<vmem>>)
      %ge3A = arith.constant 2 : i32
      %ge3A_165 = arith.cmpi sge, %add3A_131, %ge3A : i32
      %convert_element_type3A = arith.extui %ge3A_165 : i1 to i32
      %cond3A = arith.constant 0 : i32
      %cond3A_166 = arith.cmpi ne, %convert_element_type3A, %cond3A : i32
      scf.if %cond3A_166 {
        %dma_wait3A_267 = arith.constant 0 : i32
        %dma_wait3A_268 = arith.constant 0 : i32
        %dma_wait3A_269 = arith.constant 0 : i32
        %dma_wait3A_270 = arith.constant 0 : i32
        %dma_wait3A_271 = tpu.memref_slice %arg9[%dma_wait3A_267, %dma_wait3A_269, %dma_wait3A_270] : memref<2x16x1024xf32, #tpu.memory_space<vmem>> -> memref<1x16x1024xf32, #tpu.memory_space<vmem>>
        %dma_wait3A_272 = tpu.memref_squeeze %dma_wait3A_271 : memref<1x16x1024xf32, #tpu.memory_space<vmem>> -> memref<16x1024xf32, #tpu.memory_space<vmem>>
        %dma_wait3A_273 = arith.constant 0 : i32
        %dma_wait3A_274 = arith.constant 0 : i32
        %dma_wait3A_275 = tpu.memref_slice %arg5[%dma_wait3A_268, %dma_wait3A_273, %dma_wait3A_274] : memref<4x4096x1024xf32, #tpu.memory_space<hbm>> -> memref<1x16x1024xf32, #tpu.memory_space<hbm>>
        %dma_wait3A_276 = tpu.memref_squeeze %dma_wait3A_275 : memref<1x16x1024xf32, #tpu.memory_space<hbm>> -> memref<16x1024xf32, #tpu.memory_space<hbm>>
        %dma_wait3A_277 = arith.constant 0 : i32
        %dma_wait3A_278 = arith.constant 0 : i32
        %dma_wait3A_279 = tpu.memref_slice %arg5[%dma_wait3A_268, %dma_wait3A_277, %dma_wait3A_278] : memref<4x4096x1024xf32, #tpu.memory_space<hbm>> -> memref<1x16x1024xf32, #tpu.memory_space<hbm>>
        %dma_wait3A_280 = tpu.memref_squeeze %dma_wait3A_279 : memref<1x16x1024xf32, #tpu.memory_space<hbm>> -> memref<16x1024xf32, #tpu.memory_space<hbm>>
        %dma_wait3A_281 = arith.constant 0 : i32
        %dma_wait3A_282 = arith.constant 0 : i32
        %dma_wait3A_283 = tpu.memref_slice %arg9[%dma_wait3A_267, %dma_wait3A_281, %dma_wait3A_282] : memref<2x16x1024xf32, #tpu.memory_space<vmem>> -> memref<1x16x1024xf32, #tpu.memory_space<vmem>>
        %dma_wait3A_284 = tpu.memref_squeeze %dma_wait3A_283 : memref<1x16x1024xf32, #tpu.memory_space<vmem>> -> memref<16x1024xf32, #tpu.memory_space<vmem>>
        tpu.wait_dma2 semaphore(%arg14 : memref<!tpu.dma_semaphore, #tpu.memory_space<semaphore_mem>>) src(%dma_wait3A_284 : memref<16x1024xf32, #tpu.memory_space<vmem>>) dst(%dma_wait3A_280 : memref<16x1024xf32, #tpu.memory_space<hbm>>)
      } else {
      }
      %scan3A_167 = arith.constant 0 : i32
      %scan3A_168 = arith.constant 16 : i32
      %scan3A_169 = arith.addi %scan3A_167, %scan3A_168 : i32
      %scan3A_170 = arith.constant 1 : i32
      scf.for %scan3A_267 = %scan3A_167 to %scan3A_169 step %scan3A_170  : i32 {
        %mul3A_268 = arith.constant 1 : i32
        %mul3A_269 = arith.muli %scan3A_267, %mul3A_268 : i32
        %add3A_270 = arith.constant 0 : i32
        %add3A_271 = arith.addi %add3A_270, %mul3A_269 : i32
        %scan3A_272 = arith.constant 0 : i32
        %scan3A_273 = arith.constant 16 : i32
        %scan3A_274 = arith.addi %scan3A_272, %scan3A_273 : i32
        %scan3A_275 = arith.constant 1 : i32
        scf.for %scan3A_277 = %scan3A_272 to %scan3A_274 step %scan3A_275  : i32 {
          %mul3A_278 = arith.constant 64 : i32
          %mul3A_279 = arith.muli %scan3A_277, %mul3A_278 : i32
          %add3A_280 = arith.constant 0 : i32
          %add3A_281 = arith.addi %add3A_280, %mul3A_279 : i32
          %add3A_282 = arith.constant 0 : i32
          %add3A_283 = arith.addi %add3A_281, %add3A_282 : i32
          %get3A = arith.constant 0 : i32
          %get3A_284 = arith.index_cast %get3A : i32 to index
          %get3A_285 = arith.index_cast %add3A_271 : i32 to index
          %get3A_286 = arith.index_cast %add3A_283 : i32 to index
          %get3A_287 = tpu.vector_load %arg7[%get3A_284, %get3A_285, %get3A_286] {strides = array<i32>} : memref<2x16x1024xf32, #tpu.memory_space<vmem>>, vector<1x1x16xf32>,
          %get3A_288 = vector.shape_cast %get3A_287 : vector<1x1x16xf32> to vector<16xf32>
          %get3A_289 = arith.constant 0 : i32
          %get3A_290 = arith.index_cast %get3A_289 : i32 to index
          %get3A_291 = arith.index_cast %add3A_271 : i32 to index
          %get3A_292 = arith.index_cast %add3A_283 : i32 to index
          %get3A_293 = tpu.vector_load %arg8[%get3A_290, %get3A_291, %get3A_292] {strides = array<i32>} : memref<2x16x1024xf32, #tpu.memory_space<vmem>>, vector<1x1x16xf32>,
          %get3A_294 = vector.shape_cast %get3A_293 : vector<1x1x16xf32> to vector<16xf32>
          %add3A_295 = arith.addf %get3A_288, %get3A_294 : vector<16xf32>
          %swap3A = arith.constant 0 : i32
          %swap3A_296 = arith.index_cast %swap3A : i32 to index
          %swap3A_297 = arith.index_cast %add3A_271 : i32 to index
          %swap3A_298 = arith.index_cast %add3A_283 : i32 to index
          %swap3A_299 = tpu.vector_load %arg9[%swap3A_296, %swap3A_297, %swap3A_298] {strides = array<i32>} : memref<2x16x1024xf32, #tpu.memory_space<vmem>>, vector<1x1x16xf32>,
          %swap3A_300 = vector.shape_cast %swap3A_299 : vector<1x1x16xf32> to vector<16xf32>
          %swap3A_301 = vector.shape_cast %add3A_295 : vector<16xf32> to vector<1x1x16xf32>
          tpu.vector_store %arg9[%swap3A_296, %swap3A_297, %swap3A_298], %swap3A_301 {strides = array<i32>} : memref<2x16x1024xf32, #tpu.memory_space<vmem>>, vector<1x1x16xf32>,
          %add3A_302 = arith.constant 16 : i32
          %add3A_303 = arith.addi %add3A_281, %add3A_302 : i32
          %get3A_304 = arith.constant 0 : i32
          %get3A_305 = arith.index_cast %get3A_304 : i32 to index
          %get3A_306 = arith.index_cast %add3A_271 : i32 to index
          %get3A_307 = arith.index_cast %add3A_303 : i32 to index
          %get3A_308 = tpu.vector_load %arg7[%get3A_305, %get3A_306, %get3A_307] {strides = array<i32>} : memref<2x16x1024xf32, #tpu.memory_space<vmem>>, vector<1x1x16xf32>,
          %get3A_309 = vector.shape_cast %get3A_308 : vector<1x1x16xf32> to vector<16xf32>
          %get3A_310 = arith.constant 0 : i32
          %get3A_311 = arith.index_cast %get3A_310 : i32 to index
          %get3A_312 = arith.index_cast %add3A_271 : i32 to index
          %get3A_313 = arith.index_cast %add3A_303 : i32 to index
          %get3A_314 = tpu.vector_load %arg8[%get3A_311, %get3A_312, %get3A_313] {strides = array<i32>} : memref<2x16x1024xf32, #tpu.memory_space<vmem>>, vector<1x1x16xf32>,
          %get3A_315 = vector.shape_cast %get3A_314 : vector<1x1x16xf32> to vector<16xf32>
          %add3A_316 = arith.addf %get3A_309, %get3A_315 : vector<16xf32>
          %swap3A_317 = arith.constant 0 : i32
          %swap3A_318 = arith.index_cast %swap3A_317 : i32 to index
          %swap3A_319 = arith.index_cast %add3A_271 : i32 to index
          %swap3A_320 = arith.index_cast %add3A_303 : i32 to index
          %swap3A_321 = tpu.vector_load %arg9[%swap3A_318, %swap3A_319, %swap3A_320] {strides = array<i32>} : memref<2x16x1024xf32, #tpu.memory_space<vmem>>, vector<1x1x16xf32>,
          %swap3A_322 = vector.shape_cast %swap3A_321 : vector<1x1x16xf32> to vector<16xf32>
          %swap3A_323 = vector.shape_cast %add3A_316 : vector<16xf32> to vector<1x1x16xf32>
          tpu.vector_store %arg9[%swap3A_318, %swap3A_319, %swap3A_320], %swap3A_323 {strides = array<i32>} : memref<2x16x1024xf32, #tpu.memory_space<vmem>>, vector<1x1x16xf32>,
          %add3A_324 = arith.constant 32 : i32
          %add3A_325 = arith.addi %add3A_281, %add3A_324 : i32
          %get3A_326 = arith.constant 0 : i32
          %get3A_327 = arith.index_cast %get3A_326 : i32 to index
          %get3A_328 = arith.index_cast %add3A_271 : i32 to index
          %get3A_329 = arith.index_cast %add3A_325 : i32 to index
          %get3A_330 = tpu.vector_load %arg7[%get3A_327, %get3A_328, %get3A_329] {strides = array<i32>} : memref<2x16x1024xf32, #tpu.memory_space<vmem>>, vector<1x1x16xf32>,
          %get3A_331 = vector.shape_cast %get3A_330 : vector<1x1x16xf32> to vector<16xf32>
          %get3A_332 = arith.constant 0 : i32
          %get3A_333 = arith.index_cast %get3A_332 : i32 to index
          %get3A_334 = arith.index_cast %add3A_271 : i32 to index
          %get3A_335 = arith.index_cast %add3A_325 : i32 to index
          %get3A_336 = tpu.vector_load %arg8[%get3A_333, %get3A_334, %get3A_335] {strides = array<i32>} : memref<2x16x1024xf32, #tpu.memory_space<vmem>>, vector<1x1x16xf32>,
          %get3A_337 = vector.shape_cast %get3A_336 : vector<1x1x16xf32> to vector<16xf32>
          %add3A_338 = arith.addf %get3A_331, %get3A_337 : vector<16xf32>
          %swap3A_339 = arith.constant 0 : i32
          %swap3A_340 = arith.index_cast %swap3A_339 : i32 to index
          %swap3A_341 = arith.index_cast %add3A_271 : i32 to index
          %swap3A_342 = arith.index_cast %add3A_325 : i32 to index
          %swap3A_343 = tpu.vector_load %arg9[%swap3A_340, %swap3A_341, %swap3A_342] {strides = array<i32>} : memref<2x16x1024xf32, #tpu.memory_space<vmem>>, vector<1x1x16xf32>,
          %swap3A_344 = vector.shape_cast %swap3A_343 : vector<1x1x16xf32> to vector<16xf32>
          %swap3A_345 = vector.shape_cast %add3A_338 : vector<16xf32> to vector<1x1x16xf32>
          tpu.vector_store %arg9[%swap3A_340, %swap3A_341, %swap3A_342], %swap3A_345 {strides = array<i32>} : memref<2x16x1024xf32, #tpu.memory_space<vmem>>, vector<1x1x16xf32>,
          %add3A_346 = arith.constant 48 : i32
          %add3A_347 = arith.addi %add3A_281, %add3A_346 : i32
          %get3A_348 = arith.constant 0 : i32
          %get3A_349 = arith.index_cast %get3A_348 : i32 to index
          %get3A_350 = arith.index_cast %add3A_271 : i32 to index
          %get3A_351 = arith.index_cast %add3A_347 : i32 to index
          %get3A_352 = tpu.vector_load %arg7[%get3A_349, %get3A_350, %get3A_351] {strides = array<i32>} : memref<2x16x1024xf32, #tpu.memory_space<vmem>>, vector<1x1x16xf32>,
          %get3A_353 = vector.shape_cast %get3A_352 : vector<1x1x16xf32> to vector<16xf32>
          %get3A_354 = arith.constant 0 : i32
          %get3A_355 = arith.index_cast %get3A_354 : i32 to index
          %get3A_356 = arith.index_cast %add3A_271 : i32 to index
          %get3A_357 = arith.index_cast %add3A_347 : i32 to index
          %get3A_358 = tpu.vector_load %arg8[%get3A_355, %get3A_356, %get3A_357] {strides = array<i32>} : memref<2x16x1024xf32, #tpu.memory_space<vmem>>, vector<1x1x16xf32>,
          %get3A_359 = vector.shape_cast %get3A_358 : vector<1x1x16xf32> to vector<16xf32>
          %add3A_360 = arith.addf %get3A_353, %get3A_359 : vector<16xf32>
          %swap3A_361 = arith.constant 0 : i32
          %swap3A_362 = arith.index_cast %swap3A_361 : i32 to index
          %swap3A_363 = arith.index_cast %add3A_271 : i32 to index
          %swap3A_364 = arith.index_cast %add3A_347 : i32 to index
          %swap3A_365 = tpu.vector_load %arg9[%swap3A_362, %swap3A_363, %swap3A_364] {strides = array<i32>} : memref<2x16x1024xf32, #tpu.memory_space<vmem>>, vector<1x1x16xf32>,
          %swap3A_366 = vector.shape_cast %swap3A_365 : vector<1x1x16xf32> to vector<16xf32>
          %swap3A_367 = vector.shape_cast %add3A_360 : vector<16xf32> to vector<1x1x16xf32>
          tpu.vector_store %arg9[%swap3A_362, %swap3A_363, %swap3A_364], %swap3A_367 {strides = array<i32>} : memref<2x16x1024xf32, #tpu.memory_space<vmem>>, vector<1x1x16xf32>,
        }
        %scan3A_276 = arith.constant 16 : i32
      }
      %scan3A_171 = arith.constant 16 : i32
      %mul3A_172 = arith.constant 16 : i32
      %mul3A_173 = arith.muli %add3A_131, %mul3A_172 : i32
      %add3A_174 = arith.addi %mul3A_32, %mul3A_173 : i32
      %dma_start3A_175 = arith.constant 0 : i32
      %dma_start3A_176 = arith.constant 0 : i32
      %dma_start3A_177 = arith.constant 0 : i32
      %dma_start3A_178 = tpu.memref_slice %arg9[%dma_start3A_175, %dma_start3A_176, %dma_start3A_177] : memref<2x16x1024xf32, #tpu.memory_space<vmem>> -> memref<1x16x1024xf32, #tpu.memory_space<vmem>>
      %dma_start3A_179 = tpu.memref_squeeze %dma_start3A_178 : memref<1x16x1024xf32, #tpu.memory_space<vmem>> -> memref<16x1024xf32, #tpu.memory_space<vmem>>
      %dma_start3A_180 = arith.constant 0 : i32
      %dma_start3A_181 = tpu.memref_slice %arg5[%select_n3A, %add3A_174, %dma_start3A_180] : memref<4x4096x1024xf32, #tpu.memory_space<hbm>> -> memref<1x16x1024xf32, #tpu.memory_space<hbm>>
      %dma_start3A_182 = tpu.memref_squeeze %dma_start3A_181 : memref<1x16x1024xf32, #tpu.memory_space<hbm>> -> memref<16x1024xf32, #tpu.memory_space<hbm>>
      %dma_start3A_183 = arith.constant 0 : i32
      %dma_start3A_184 = tpu.memref_slice %arg5[%select_n3A, %add3A_174, %dma_start3A_183] : memref<4x4096x1024xf32, #tpu.memory_space<hbm>> -> memref<1x16x1024xf32, #tpu.memory_space<hbm>>
      %dma_start3A_185 = tpu.memref_squeeze %dma_start3A_184 : memref<1x16x1024xf32, #tpu.memory_space<hbm>> -> memref<16x1024xf32, #tpu.memory_space<hbm>>
      %dma_start3A_186 = arith.constant 0 : i32
      %dma_start3A_187 = arith.constant 0 : i32
      %dma_start3A_188 = tpu.memref_slice %arg9[%dma_start3A_175, %dma_start3A_186, %dma_start3A_187] : memref<2x16x1024xf32, #tpu.memory_space<vmem>> -> memref<1x16x1024xf32, #tpu.memory_space<vmem>>
      %dma_start3A_189 = tpu.memref_squeeze %dma_start3A_188 : memref<1x16x1024xf32, #tpu.memory_space<vmem>> -> memref<16x1024xf32, #tpu.memory_space<vmem>>
      tpu.enqueue_dma source(%dma_start3A_189 : memref<16x1024xf32, #tpu.memory_space<vmem>>) target(%dma_start3A_185 : memref<16x1024xf32, #tpu.memory_space<hbm>>) target_semaphore(%arg14 : memref<!tpu.dma_semaphore, #tpu.memory_space<semaphore_mem>>)
      %add3A_190 = arith.constant 2 : i32
      %add3A_191 = arith.addi %add3A_131, %add3A_190 : i32
      %lt3A_192 = arith.constant 32 : i32
      %lt3A_193 = arith.cmpi slt, %add3A_191, %lt3A_192 : i32
      %convert_element_type3A_194 = arith.extui %lt3A_193 : i1 to i32
      %cond3A_195 = arith.constant 0 : i32
      %cond3A_196 = arith.cmpi ne, %convert_element_type3A_194, %cond3A_195 : i32
      scf.if %cond3A_196 {
        %add3A_267 = arith.constant 2 : i32
        %add3A_268 = arith.addi %add3A_131, %add3A_267 : i32
        %mul3A_269 = arith.constant 16 : i32
        %mul3A_270 = arith.muli %add3A_268, %mul3A_269 : i32
        %dma_start3A_271 = arith.constant 0 : i32
        %dma_start3A_272 = arith.constant 0 : i32
        %dma_start3A_273 = arith.constant 0 : i32
        %dma_start3A_274 = tpu.memref_slice %arg7[%dma_start3A_271, %dma_start3A_272, %dma_start3A_273] : memref<2x16x1024xf32, #tpu.memory_space<vmem>> -> memref<1x16x1024xf32, #tpu.memory_space<vmem>>
        %dma_start3A_275 = tpu.memref_squeeze %dma_start3A_274 : memref<1x16x1024xf32, #tpu.memory_space<vmem>> -> memref<16x1024xf32, #tpu.memory_space<vmem>>
        %dma_start3A_276 = tpu.memref_slice %arg6[%mul3A_270] : memref<512xi32, #tpu.memory_space<vmem>> -> memref<16xi32, #tpu.memory_space<vmem>>
        %dma_start3A_277 = arith.constant 0 : i32
        %dma_start3A_278 = arith.constant 0 : i32
        %dma_start3A_279 = tpu.memref_slice %arg4[%dma_start3A_277, %dma_start3A_278] : memref<8192x1024xf32, #tpu.memory_space<hbm>> -> memref<8192x1024xf32, #tpu.memory_space<hbm>>
        tpu.enqueue_indirect_dma source(%dma_start3A_279 : memref<8192x1024xf32, #tpu.memory_space<hbm>>) target(%dma_start3A_275 : memref<16x1024xf32, #tpu.memory_space<vmem>>) offsets(%dma_start3A_276 : memref<16xi32, #tpu.memory_space<vmem>>) semaphore(%arg10 : memref<!tpu.dma_semaphore, #tpu.memory_space<semaphore_mem>>)
        %mul3A_280 = arith.constant 16 : i32
        %mul3A_281 = arith.muli %add3A_268, %mul3A_280 : i32
        %add3A_282 = arith.addi %mul3A_32, %mul3A_281 : i32
        %dma_start3A_283 = arith.constant 0 : i32
        %dma_start3A_284 = arith.constant 0 : i32
        %dma_start3A_285 = arith.constant 0 : i32
        %dma_start3A_286 = tpu.memref_slice %arg8[%dma_start3A_283, %dma_start3A_284, %dma_start3A_285] : memref<2x16x1024xf32, #tpu.memory_space<vmem>> -> memref<1x16x1024xf32, #tpu.memory_space<vmem>>
        %dma_start3A_287 = tpu.memref_squeeze %dma_start3A_286 : memref<1x16x1024xf32, #tpu.memory_space<vmem>> -> memref<16x1024xf32, #tpu.memory_space<vmem>>
        %dma_start3A_288 = arith.constant 0 : i32
        %dma_start3A_289 = tpu.memref_slice %arg2[%select_n3A, %add3A_282, %dma_start3A_288] : memref<4x4096x1024xf32, #tpu.memory_space<hbm>> -> memref<1x16x1024xf32, #tpu.memory_space<hbm>>
        %dma_start3A_290 = tpu.memref_squeeze %dma_start3A_289 : memref<1x16x1024xf32, #tpu.memory_space<hbm>> -> memref<16x1024xf32, #tpu.memory_space<hbm>>
        %dma_start3A_291 = arith.constant 0 : i32
        %dma_start3A_292 = arith.constant 0 : i32
        %dma_start3A_293 = tpu.memref_slice %arg8[%dma_start3A_283, %dma_start3A_291, %dma_start3A_292] : memref<2x16x1024xf32, #tpu.memory_space<vmem>> -> memref<1x16x1024xf32, #tpu.memory_space<vmem>>
        %dma_start3A_294 = tpu.memref_squeeze %dma_start3A_293 : memref<1x16x1024xf32, #tpu.memory_space<vmem>> -> memref<16x1024xf32, #tpu.memory_space<vmem>>
        %dma_start3A_295 = arith.constant 0 : i32
        %dma_start3A_296 = tpu.memref_slice %arg2[%select_n3A, %add3A_282, %dma_start3A_295] : memref<4x4096x1024xf32, #tpu.memory_space<hbm>> -> memref<1x16x1024xf32, #tpu.memory_space<hbm>>
        %dma_start3A_297 = tpu.memref_squeeze %dma_start3A_296 : memref<1x16x1024xf32, #tpu.memory_space<hbm>> -> memref<16x1024xf32, #tpu.memory_space<hbm>>
        tpu.enqueue_dma source(%dma_start3A_297 : memref<16x1024xf32, #tpu.memory_space<hbm>>) target(%dma_start3A_294 : memref<16x1024xf32, #tpu.memory_space<vmem>>) target_semaphore(%arg12 : memref<!tpu.dma_semaphore, #tpu.memory_space<semaphore_mem>>)
      } else {
      }
      %add3A_197 = arith.constant 1 : i32
      %add3A_198 = arith.addi %add3A_129, %add3A_197 : i32
      %dma_wait3A_199 = arith.constant 1 : i32
      %dma_wait3A_200 = arith.constant 0 : i32
      %dma_wait3A_201 = arith.constant 0 : i32
      %dma_wait3A_202 = tpu.memref_slice %arg7[%dma_wait3A_199, %dma_wait3A_200, %dma_wait3A_201] : memref<2x16x1024xf32, #tpu.memory_space<vmem>> -> memref<1x16x1024xf32, #tpu.memory_space<vmem>>
      %dma_wait3A_203 = tpu.memref_squeeze %dma_wait3A_202 : memref<1x16x1024xf32, #tpu.memory_space<vmem>> -> memref<16x1024xf32, #tpu.memory_space<vmem>>
      %dma_wait3A_204 = arith.constant 0 : i32
      %dma_wait3A_205 = arith.constant 0 : i32
      %dma_wait3A_206 = tpu.memref_slice %arg4[%dma_wait3A_204, %dma_wait3A_205] : memref<8192x1024xf32, #tpu.memory_space<hbm>> -> memref<16x1024xf32, #tpu.memory_space<hbm>>
      %dma_wait3A_207 = arith.constant 0 : i32
      %dma_wait3A_208 = arith.constant 0 : i32
      %dma_wait3A_209 = tpu.memref_slice %arg7[%dma_wait3A_199, %dma_wait3A_207, %dma_wait3A_208] : memref<2x16x1024xf32, #tpu.memory_space<vmem>> -> memref<1x16x1024xf32, #tpu.memory_space<vmem>>
      %dma_wait3A_210 = tpu.memref_squeeze %dma_wait3A_209 : memref<1x16x1024xf32, #tpu.memory_space<vmem>> -> memref<16x1024xf32, #tpu.memory_space<vmem>>
      %dma_wait3A_211 = arith.constant 0 : i32
      %dma_wait3A_212 = arith.constant 0 : i32
      %dma_wait3A_213 = tpu.memref_slice %arg4[%dma_wait3A_211, %dma_wait3A_212] : memref<8192x1024xf32, #tpu.memory_space<hbm>> -> memref<16x1024xf32, #tpu.memory_space<hbm>>
      tpu.wait_dma2 semaphore(%arg11 : memref<!tpu.dma_semaphore, #tpu.memory_space<semaphore_mem>>) src(%dma_wait3A_213 : memref<16x1024xf32, #tpu.memory_space<hbm>>) dst(%dma_wait3A_210 : memref<16x1024xf32, #tpu.memory_space<vmem>>)
      %dma_wait3A_214 = arith.constant 0 : i32
      %dma_wait3A_215 = arith.constant 1 : i32
      %dma_wait3A_216 = arith.constant 0 : i32
      %dma_wait3A_217 = arith.constant 0 : i32
      %dma_wait3A_218 = tpu.memref_slice %arg8[%dma_wait3A_215, %dma_wait3A_216, %dma_wait3A_217] : memref<2x16x1024xf32, #tpu.memory_space<vmem>> -> memref<1x16x1024xf32, #tpu.memory_space<vmem>>
      %dma_wait3A_219 = tpu.memref_squeeze %dma_wait3A_218 : memref<1x16x1024xf32, #tpu.memory_space<vmem>> -> memref<16x1024xf32, #tpu.memory_space<vmem>>
      %dma_wait3A_220 = arith.constant 0 : i32
      %dma_wait3A_221 = arith.constant 0 : i32
      %dma_wait3A_222 = tpu.memref_slice %arg2[%dma_wait3A_214, %dma_wait3A_220, %dma_wait3A_221] : memref<4x4096x1024xf32, #tpu.memory_space<hbm>> -> memref<1x16x1024xf32, #tpu.memory_space<hbm>>
      %dma_wait3A_223 = tpu.memref_squeeze %dma_wait3A_222 : memref<1x16x1024xf32, #tpu.memory_space<hbm>> -> memref<16x1024xf32, #tpu.memory_space<hbm>>
      %dma_wait3A_224 = arith.constant 0 : i32
      %dma_wait3A_225 = arith.constant 0 : i32
      %dma_wait3A_226 = tpu.memref_slice %arg8[%dma_wait3A_215, %dma_wait3A_224, %dma_wait3A_225] : memref<2x16x1024xf32, #tpu.memory_space<vmem>> -> memref<1x16x1024xf32, #tpu.memory_space<vmem>>
      %dma_wait3A_227 = tpu.memref_squeeze %dma_wait3A_226 : memref<1x16x1024xf32, #tpu.memory_space<vmem>> -> memref<16x1024xf32, #tpu.memory_space<vmem>>
      %dma_wait3A_228 = arith.constant 0 : i32
      %dma_wait3A_229 = arith.constant 0 : i32
      %dma_wait3A_230 = tpu.memref_slice %arg2[%dma_wait3A_214, %dma_wait3A_228, %dma_wait3A_229] : memref<4x4096x1024xf32, #tpu.memory_space<hbm>> -> memref<1x16x1024xf32, #tpu.memory_space<hbm>>
      %dma_wait3A_231 = tpu.memref_squeeze %dma_wait3A_230 : memref<1x16x1024xf32, #tpu.memory_space<hbm>> -> memref<16x1024xf32, #tpu.memory_space<hbm>>
      tpu.wait_dma2 semaphore(%arg13 : memref<!tpu.dma_semaphore, #tpu.memory_space<semaphore_mem>>) src(%dma_wait3A_231 : memref<16x1024xf32, #tpu.memory_space<hbm>>) dst(%dma_wait3A_227 : memref<16x1024xf32, #tpu.memory_space<vmem>>)
      %ge3A_232 = arith.constant 2 : i32
      %ge3A_233 = arith.cmpi sge, %add3A_198, %ge3A_232 : i32
      %convert_element_type3A_234 = arith.extui %ge3A_233 : i1 to i32
      %cond3A_235 = arith.constant 0 : i32
      %cond3A_236 = arith.cmpi ne, %convert_element_type3A_234, %cond3A_235 : i32
      scf.if %cond3A_236 {
        %dma_wait3A_267 = arith.constant 1 : i32
        %dma_wait3A_268 = arith.constant 0 : i32
        %dma_wait3A_269 = arith.constant 0 : i32
        %dma_wait3A_270 = arith.constant 0 : i32
        %dma_wait3A_271 = tpu.memref_slice %arg9[%dma_wait3A_267, %dma_wait3A_269, %dma_wait3A_270] : memref<2x16x1024xf32, #tpu.memory_space<vmem>> -> memref<1x16x1024xf32, #tpu.memory_space<vmem>>
        %dma_wait3A_272 = tpu.memref_squeeze %dma_wait3A_271 : memref<1x16x1024xf32, #tpu.memory_space<vmem>> -> memref<16x1024xf32, #tpu.memory_space<vmem>>
        %dma_wait3A_273 = arith.constant 0 : i32
        %dma_wait3A_274 = arith.constant 0 : i32
        %dma_wait3A_275 = tpu.memref_slice %arg5[%dma_wait3A_268, %dma_wait3A_273, %dma_wait3A_274] : memref<4x4096x1024xf32, #tpu.memory_space<hbm>> -> memref<1x16x1024xf32, #tpu.memory_space<hbm>>
        %dma_wait3A_276 = tpu.memref_squeeze %dma_wait3A_275 : memref<1x16x1024xf32, #tpu.memory_space<hbm>> -> memref<16x1024xf32, #tpu.memory_space<hbm>>
        %dma_wait3A_277 = arith.constant 0 : i32
        %dma_wait3A_278 = arith.constant 0 : i32
        %dma_wait3A_279 = tpu.memref_slice %arg5[%dma_wait3A_268, %dma_wait3A_277, %dma_wait3A_278] : memref<4x4096x1024xf32, #tpu.memory_space<hbm>> -> memref<1x16x1024xf32, #tpu.memory_space<hbm>>
        %dma_wait3A_280 = tpu.memref_squeeze %dma_wait3A_279 : memref<1x16x1024xf32, #tpu.memory_space<hbm>> -> memref<16x1024xf32, #tpu.memory_space<hbm>>
        %dma_wait3A_281 = arith.constant 0 : i32
        %dma_wait3A_282 = arith.constant 0 : i32
        %dma_wait3A_283 = tpu.memref_slice %arg9[%dma_wait3A_267, %dma_wait3A_281, %dma_wait3A_282] : memref<2x16x1024xf32, #tpu.memory_space<vmem>> -> memref<1x16x1024xf32, #tpu.memory_space<vmem>>
        %dma_wait3A_284 = tpu.memref_squeeze %dma_wait3A_283 : memref<1x16x1024xf32, #tpu.memory_space<vmem>> -> memref<16x1024xf32, #tpu.memory_space<vmem>>
        tpu.wait_dma2 semaphore(%arg15 : memref<!tpu.dma_semaphore, #tpu.memory_space<semaphore_mem>>) src(%dma_wait3A_284 : memref<16x1024xf32, #tpu.memory_space<vmem>>) dst(%dma_wait3A_280 : memref<16x1024xf32, #tpu.memory_space<hbm>>)
      } else {
      }
      %scan3A_237 = arith.constant 0 : i32
      %scan3A_238 = arith.constant 16 : i32
      %scan3A_239 = arith.addi %scan3A_237, %scan3A_238 : i32
      %scan3A_240 = arith.constant 1 : i32
      scf.for %scan3A_267 = %scan3A_237 to %scan3A_239 step %scan3A_240  : i32 {
        %mul3A_268 = arith.constant 1 : i32
        %mul3A_269 = arith.muli %scan3A_267, %mul3A_268 : i32
        %add3A_270 = arith.constant 0 : i32
        %add3A_271 = arith.addi %add3A_270, %mul3A_269 : i32
        %scan3A_272 = arith.constant 0 : i32
        %scan3A_273 = arith.constant 16 : i32
        %scan3A_274 = arith.addi %scan3A_272, %scan3A_273 : i32
        %scan3A_275 = arith.constant 1 : i32
        scf.for %scan3A_277 = %scan3A_272 to %scan3A_274 step %scan3A_275  : i32 {
          %mul3A_278 = arith.constant 64 : i32
          %mul3A_279 = arith.muli %scan3A_277, %mul3A_278 : i32
          %add3A_280 = arith.constant 0 : i32
          %add3A_281 = arith.addi %add3A_280, %mul3A_279 : i32
          %add3A_282 = arith.constant 0 : i32
          %add3A_283 = arith.addi %add3A_281, %add3A_282 : i32
          %get3A = arith.constant 1 : i32
          %get3A_284 = arith.index_cast %get3A : i32 to index
          %get3A_285 = arith.index_cast %add3A_271 : i32 to index
          %get3A_286 = arith.index_cast %add3A_283 : i32 to index
          %get3A_287 = tpu.vector_load %arg7[%get3A_284, %get3A_285, %get3A_286] {strides = array<i32>} : memref<2x16x1024xf32, #tpu.memory_space<vmem>>, vector<1x1x16xf32>,
          %get3A_288 = vector.shape_cast %get3A_287 : vector<1x1x16xf32> to vector<16xf32>
          %get3A_289 = arith.constant 1 : i32
          %get3A_290 = arith.index_cast %get3A_289 : i32 to index
          %get3A_291 = arith.index_cast %add3A_271 : i32 to index
          %get3A_292 = arith.index_cast %add3A_283 : i32 to index
          %get3A_293 = tpu.vector_load %arg8[%get3A_290, %get3A_291, %get3A_292] {strides = array<i32>} : memref<2x16x1024xf32, #tpu.memory_space<vmem>>, vector<1x1x16xf32>,
          %get3A_294 = vector.shape_cast %get3A_293 : vector<1x1x16xf32> to vector<16xf32>
          %add3A_295 = arith.addf %get3A_288, %get3A_294 : vector<16xf32>
          %swap3A = arith.constant 1 : i32
          %swap3A_296 = arith.index_cast %swap3A : i32 to index
          %swap3A_297 = arith.index_cast %add3A_271 : i32 to index
          %swap3A_298 = arith.index_cast %add3A_283 : i32 to index
          %swap3A_299 = tpu.vector_load %arg9[%swap3A_296, %swap3A_297, %swap3A_298] {strides = array<i32>} : memref<2x16x1024xf32, #tpu.memory_space<vmem>>, vector<1x1x16xf32>,
          %swap3A_300 = vector.shape_cast %swap3A_299 : vector<1x1x16xf32> to vector<16xf32>
          %swap3A_301 = vector.shape_cast %add3A_295 : vector<16xf32> to vector<1x1x16xf32>
          tpu.vector_store %arg9[%swap3A_296, %swap3A_297, %swap3A_298], %swap3A_301 {strides = array<i32>} : memref<2x16x1024xf32, #tpu.memory_space<vmem>>, vector<1x1x16xf32>,
          %add3A_302 = arith.constant 16 : i32
          %add3A_303 = arith.addi %add3A_281, %add3A_302 : i32
          %get3A_304 = arith.constant 1 : i32
          %get3A_305 = arith.index_cast %get3A_304 : i32 to index
          %get3A_306 = arith.index_cast %add3A_271 : i32 to index
          %get3A_307 = arith.index_cast %add3A_303 : i32 to index
          %get3A_308 = tpu.vector_load %arg7[%get3A_305, %get3A_306, %get3A_307] {strides = array<i32>} : memref<2x16x1024xf32, #tpu.memory_space<vmem>>, vector<1x1x16xf32>,
          %get3A_309 = vector.shape_cast %get3A_308 : vector<1x1x16xf32> to vector<16xf32>
          %get3A_310 = arith.constant 1 : i32
          %get3A_311 = arith.index_cast %get3A_310 : i32 to index
          %get3A_312 = arith.index_cast %add3A_271 : i32 to index
          %get3A_313 = arith.index_cast %add3A_303 : i32 to index
          %get3A_314 = tpu.vector_load %arg8[%get3A_311, %get3A_312, %get3A_313] {strides = array<i32>} : memref<2x16x1024xf32, #tpu.memory_space<vmem>>, vector<1x1x16xf32>,
          %get3A_315 = vector.shape_cast %get3A_314 : vector<1x1x16xf32> to vector<16xf32>
          %add3A_316 = arith.addf %get3A_309, %get3A_315 : vector<16xf32>
          %swap3A_317 = arith.constant 1 : i32
          %swap3A_318 = arith.index_cast %swap3A_317 : i32 to index
          %swap3A_319 = arith.index_cast %add3A_271 : i32 to index
          %swap3A_320 = arith.index_cast %add3A_303 : i32 to index
          %swap3A_321 = tpu.vector_load %arg9[%swap3A_318, %swap3A_319, %swap3A_320] {strides = array<i32>} : memref<2x16x1024xf32, #tpu.memory_space<vmem>>, vector<1x1x16xf32>,
          %swap3A_322 = vector.shape_cast %swap3A_321 : vector<1x1x16xf32> to vector<16xf32>
          %swap3A_323 = vector.shape_cast %add3A_316 : vector<16xf32> to vector<1x1x16xf32>
          tpu.vector_store %arg9[%swap3A_318, %swap3A_319, %swap3A_320], %swap3A_323 {strides = array<i32>} : memref<2x16x1024xf32, #tpu.memory_space<vmem>>, vector<1x1x16xf32>,
          %add3A_324 = arith.constant 32 : i32
          %add3A_325 = arith.addi %add3A_281, %add3A_324 : i32
          %get3A_326 = arith.constant 1 : i32
          %get3A_327 = arith.index_cast %get3A_326 : i32 to index
          %get3A_328 = arith.index_cast %add3A_271 : i32 to index
          %get3A_329 = arith.index_cast %add3A_325 : i32 to index
          %get3A_330 = tpu.vector_load %arg7[%get3A_327, %get3A_328, %get3A_329] {strides = array<i32>} : memref<2x16x1024xf32, #tpu.memory_space<vmem>>, vector<1x1x16xf32>,
          %get3A_331 = vector.shape_cast %get3A_330 : vector<1x1x16xf32> to vector<16xf32>
          %get3A_332 = arith.constant 1 : i32
          %get3A_333 = arith.index_cast %get3A_332 : i32 to index
          %get3A_334 = arith.index_cast %add3A_271 : i32 to index
          %get3A_335 = arith.index_cast %add3A_325 : i32 to index
          %get3A_336 = tpu.vector_load %arg8[%get3A_333, %get3A_334, %get3A_335] {strides = array<i32>} : memref<2x16x1024xf32, #tpu.memory_space<vmem>>, vector<1x1x16xf32>,
          %get3A_337 = vector.shape_cast %get3A_336 : vector<1x1x16xf32> to vector<16xf32>
          %add3A_338 = arith.addf %get3A_331, %get3A_337 : vector<16xf32>
          %swap3A_339 = arith.constant 1 : i32
          %swap3A_340 = arith.index_cast %swap3A_339 : i32 to index
          %swap3A_341 = arith.index_cast %add3A_271 : i32 to index
          %swap3A_342 = arith.index_cast %add3A_325 : i32 to index
          %swap3A_343 = tpu.vector_load %arg9[%swap3A_340, %swap3A_341, %swap3A_342] {strides = array<i32>} : memref<2x16x1024xf32, #tpu.memory_space<vmem>>, vector<1x1x16xf32>,
          %swap3A_344 = vector.shape_cast %swap3A_343 : vector<1x1x16xf32> to vector<16xf32>
          %swap3A_345 = vector.shape_cast %add3A_338 : vector<16xf32> to vector<1x1x16xf32>
          tpu.vector_store %arg9[%swap3A_340, %swap3A_341, %swap3A_342], %swap3A_345 {strides = array<i32>} : memref<2x16x1024xf32, #tpu.memory_space<vmem>>, vector<1x1x16xf32>,
          %add3A_346 = arith.constant 48 : i32
          %add3A_347 = arith.addi %add3A_281, %add3A_346 : i32
          %get3A_348 = arith.constant 1 : i32
          %get3A_349 = arith.index_cast %get3A_348 : i32 to index
          %get3A_350 = arith.index_cast %add3A_271 : i32 to index
          %get3A_351 = arith.index_cast %add3A_347 : i32 to index
          %get3A_352 = tpu.vector_load %arg7[%get3A_349, %get3A_350, %get3A_351] {strides = array<i32>} : memref<2x16x1024xf32, #tpu.memory_space<vmem>>, vector<1x1x16xf32>,
          %get3A_353 = vector.shape_cast %get3A_352 : vector<1x1x16xf32> to vector<16xf32>
          %get3A_354 = arith.constant 1 : i32
          %get3A_355 = arith.index_cast %get3A_354 : i32 to index
          %get3A_356 = arith.index_cast %add3A_271 : i32 to index
          %get3A_357 = arith.index_cast %add3A_347 : i32 to index
          %get3A_358 = tpu.vector_load %arg8[%get3A_355, %get3A_356, %get3A_357] {strides = array<i32>} : memref<2x16x1024xf32, #tpu.memory_space<vmem>>, vector<1x1x16xf32>,
          %get3A_359 = vector.shape_cast %get3A_358 : vector<1x1x16xf32> to vector<16xf32>
          %add3A_360 = arith.addf %get3A_353, %get3A_359 : vector<16xf32>
          %swap3A_361 = arith.constant 1 : i32
          %swap3A_362 = arith.index_cast %swap3A_361 : i32 to index
          %swap3A_363 = arith.index_cast %add3A_271 : i32 to index
          %swap3A_364 = arith.index_cast %add3A_347 : i32 to index
          %swap3A_365 = tpu.vector_load %arg9[%swap3A_362, %swap3A_363, %swap3A_364] {strides = array<i32>} : memref<2x16x1024xf32, #tpu.memory_space<vmem>>, vector<1x1x16xf32>,
          %swap3A_366 = vector.shape_cast %swap3A_365 : vector<1x1x16xf32> to vector<16xf32>
          %swap3A_367 = vector.shape_cast %add3A_360 : vector<16xf32> to vector<1x1x16xf32>
          tpu.vector_store %arg9[%swap3A_362, %swap3A_363, %swap3A_364], %swap3A_367 {strides = array<i32>} : memref<2x16x1024xf32, #tpu.memory_space<vmem>>, vector<1x1x16xf32>,
        }
        %scan3A_276 = arith.constant 16 : i32
      }
      %scan3A_241 = arith.constant 16 : i32
      %mul3A_242 = arith.constant 16 : i32
      %mul3A_243 = arith.muli %add3A_198, %mul3A_242 : i32
      %add3A_244 = arith.addi %mul3A_32, %mul3A_243 : i32
      %dma_start3A_245 = arith.constant 1 : i32
      %dma_start3A_246 = arith.constant 0 : i32
      %dma_start3A_247 = arith.constant 0 : i32
      %dma_start3A_248 = tpu.memref_slice %arg9[%dma_start3A_245, %dma_start3A_246, %dma_start3A_247] : memref<2x16x1024xf32, #tpu.memory_space<vmem>> -> memref<1x16x1024xf32, #tpu.memory_space<vmem>>
      %dma_start3A_249 = tpu.memref_squeeze %dma_start3A_248 : memref<1x16x1024xf32, #tpu.memory_space<vmem>> -> memref<16x1024xf32, #tpu.memory_space<vmem>>
      %dma_start3A_250 = arith.constant 0 : i32
      %dma_start3A_251 = tpu.memref_slice %arg5[%select_n3A, %add3A_244, %dma_start3A_250] : memref<4x4096x1024xf32, #tpu.memory_space<hbm>> -> memref<1x16x1024xf32, #tpu.memory_space<hbm>>
      %dma_start3A_252 = tpu.memref_squeeze %dma_start3A_251 : memref<1x16x1024xf32, #tpu.memory_space<hbm>> -> memref<16x1024xf32, #tpu.memory_space<hbm>>
      %dma_start3A_253 = arith.constant 0 : i32
      %dma_start3A_254 = tpu.memref_slice %arg5[%select_n3A, %add3A_244, %dma_start3A_253] : memref<4x4096x1024xf32, #tpu.memory_space<hbm>> -> memref<1x16x1024xf32, #tpu.memory_space<hbm>>
      %dma_start3A_255 = tpu.memref_squeeze %dma_start3A_254 : memref<1x16x1024xf32, #tpu.memory_space<hbm>> -> memref<16x1024xf32, #tpu.memory_space<hbm>>
      %dma_start3A_256 = arith.constant 0 : i32
      %dma_start3A_257 = arith.constant 0 : i32
      %dma_start3A_258 = tpu.memref_slice %arg9[%dma_start3A_245, %dma_start3A_256, %dma_start3A_257] : memref<2x16x1024xf32, #tpu.memory_space<vmem>> -> memref<1x16x1024xf32, #tpu.memory_space<vmem>>
      %dma_start3A_259 = tpu.memref_squeeze %dma_start3A_258 : memref<1x16x1024xf32, #tpu.memory_space<vmem>> -> memref<16x1024xf32, #tpu.memory_space<vmem>>
      tpu.enqueue_dma source(%dma_start3A_259 : memref<16x1024xf32, #tpu.memory_space<vmem>>) target(%dma_start3A_255 : memref<16x1024xf32, #tpu.memory_space<hbm>>) target_semaphore(%arg15 : memref<!tpu.dma_semaphore, #tpu.memory_space<semaphore_mem>>)
      %add3A_260 = arith.constant 2 : i32
      %add3A_261 = arith.addi %add3A_198, %add3A_260 : i32
      %lt3A_262 = arith.constant 32 : i32
      %lt3A_263 = arith.cmpi slt, %add3A_261, %lt3A_262 : i32
      %convert_element_type3A_264 = arith.extui %lt3A_263 : i1 to i32
      %cond3A_265 = arith.constant 0 : i32
      %cond3A_266 = arith.cmpi ne, %convert_element_type3A_264, %cond3A_265 : i32
      scf.if %cond3A_266 {
        %add3A_267 = arith.constant 2 : i32
        %add3A_268 = arith.addi %add3A_198, %add3A_267 : i32
        %mul3A_269 = arith.constant 16 : i32
        %mul3A_270 = arith.muli %add3A_268, %mul3A_269 : i32
        %dma_start3A_271 = arith.constant 1 : i32
        %dma_start3A_272 = arith.constant 0 : i32
        %dma_start3A_273 = arith.constant 0 : i32
        %dma_start3A_274 = tpu.memref_slice %arg7[%dma_start3A_271, %dma_start3A_272, %dma_start3A_273] : memref<2x16x1024xf32, #tpu.memory_space<vmem>> -> memref<1x16x1024xf32, #tpu.memory_space<vmem>>
        %dma_start3A_275 = tpu.memref_squeeze %dma_start3A_274 : memref<1x16x1024xf32, #tpu.memory_space<vmem>> -> memref<16x1024xf32, #tpu.memory_space<vmem>>
        %dma_start3A_276 = tpu.memref_slice %arg6[%mul3A_270] : memref<512xi32, #tpu.memory_space<vmem>> -> memref<16xi32, #tpu.memory_space<vmem>>
        %dma_start3A_277 = arith.constant 0 : i32
        %dma_start3A_278 = arith.constant 0 : i32
        %dma_start3A_279 = tpu.memref_slice %arg4[%dma_start3A_277, %dma_start3A_278] : memref<8192x1024xf32, #tpu.memory_space<hbm>> -> memref<8192x1024xf32, #tpu.memory_space<hbm>>
        tpu.enqueue_indirect_dma source(%dma_start3A_279 : memref<8192x1024xf32, #tpu.memory_space<hbm>>) target(%dma_start3A_275 : memref<16x1024xf32, #tpu.memory_space<vmem>>) offsets(%dma_start3A_276 : memref<16xi32, #tpu.memory_space<vmem>>) semaphore(%arg11 : memref<!tpu.dma_semaphore, #tpu.memory_space<semaphore_mem>>)
        %mul3A_280 = arith.constant 16 : i32
        %mul3A_281 = arith.muli %add3A_268, %mul3A_280 : i32
        %add3A_282 = arith.addi %mul3A_32, %mul3A_281 : i32
        %dma_start3A_283 = arith.constant 1 : i32
        %dma_start3A_284 = arith.constant 0 : i32
        %dma_start3A_285 = arith.constant 0 : i32
        %dma_start3A_286 = tpu.memref_slice %arg8[%dma_start3A_283, %dma_start3A_284, %dma_start3A_285] : memref<2x16x1024xf32, #tpu.memory_space<vmem>> -> memref<1x16x1024xf32, #tpu.memory_space<vmem>>
        %dma_start3A_287 = tpu.memref_squeeze %dma_start3A_286 : memref<1x16x1024xf32, #tpu.memory_space<vmem>> -> memref<16x1024xf32, #tpu.memory_space<vmem>>
        %dma_start3A_288 = arith.constant 0 : i32
        %dma_start3A_289 = tpu.memref_slice %arg2[%select_n3A, %add3A_282, %dma_start3A_288] : memref<4x4096x1024xf32, #tpu.memory_space<hbm>> -> memref<1x16x1024xf32, #tpu.memory_space<hbm>>
        %dma_start3A_290 = tpu.memref_squeeze %dma_start3A_289 : memref<1x16x1024xf32, #tpu.memory_space<hbm>> -> memref<16x1024xf32, #tpu.memory_space<hbm>>
        %dma_start3A_291 = arith.constant 0 : i32
        %dma_start3A_292 = arith.constant 0 : i32
        %dma_start3A_293 = tpu.memref_slice %arg8[%dma_start3A_283, %dma_start3A_291, %dma_start3A_292] : memref<2x16x1024xf32, #tpu.memory_space<vmem>> -> memref<1x16x1024xf32, #tpu.memory_space<vmem>>
        %dma_start3A_294 = tpu.memref_squeeze %dma_start3A_293 : memref<1x16x1024xf32, #tpu.memory_space<vmem>> -> memref<16x1024xf32, #tpu.memory_space<vmem>>
        %dma_start3A_295 = arith.constant 0 : i32
        %dma_start3A_296 = tpu.memref_slice %arg2[%select_n3A, %add3A_282, %dma_start3A_295] : memref<4x4096x1024xf32, #tpu.memory_space<hbm>> -> memref<1x16x1024xf32, #tpu.memory_space<hbm>>
        %dma_start3A_297 = tpu.memref_squeeze %dma_start3A_296 : memref<1x16x1024xf32, #tpu.memory_space<hbm>> -> memref<16x1024xf32, #tpu.memory_space<hbm>>
        tpu.enqueue_dma source(%dma_start3A_297 : memref<16x1024xf32, #tpu.memory_space<hbm>>) target(%dma_start3A_294 : memref<16x1024xf32, #tpu.memory_space<vmem>>) target_semaphore(%arg13 : memref<!tpu.dma_semaphore, #tpu.memory_space<semaphore_mem>>)
      } else {
      }
    }
    %scan3A_89 = arith.constant 16 : i32
    %dma_wait3A = arith.constant 0 : i32
    %dma_wait3A_90 = arith.constant 0 : i32
    %dma_wait3A_91 = arith.constant 0 : i32
    %dma_wait3A_92 = arith.constant 0 : i32
    %dma_wait3A_93 = tpu.memref_slice %arg9[%dma_wait3A, %dma_wait3A_91, %dma_wait3A_92] : memref<2x16x1024xf32, #tpu.memory_space<vmem>> -> memref<1x16x1024xf32, #tpu.memory_space<vmem>>
    %dma_wait3A_94 = tpu.memref_squeeze %dma_wait3A_93 : memref<1x16x1024xf32, #tpu.memory_space<vmem>> -> memref<16x1024xf32, #tpu.memory_space<vmem>>
    %dma_wait3A_95 = arith.constant 0 : i32
    %dma_wait3A_96 = arith.constant 0 : i32
    %dma_wait3A_97 = tpu.memref_slice %arg5[%dma_wait3A_90, %dma_wait3A_95, %dma_wait3A_96] : memref<4x4096x1024xf32, #tpu.memory_space<hbm>> -> memref<1x16x1024xf32, #tpu.memory_space<hbm>>
    %dma_wait3A_98 = tpu.memref_squeeze %dma_wait3A_97 : memref<1x16x1024xf32, #tpu.memory_space<hbm>> -> memref<16x1024xf32, #tpu.memory_space<hbm>>
    %dma_wait3A_99 = arith.constant 0 : i32
    %dma_wait3A_100 = arith.constant 0 : i32
    %dma_wait3A_101 = tpu.memref_slice %arg5[%dma_wait3A_90, %dma_wait3A_99, %dma_wait3A_100] : memref<4x4096x1024xf32, #tpu.memory_space<hbm>> -> memref<1x16x1024xf32, #tpu.memory_space<hbm>>
    %dma_wait3A_102 = tpu.memref_squeeze %dma_wait3A_101 : memref<1x16x1024xf32, #tpu.memory_space<hbm>> -> memref<16x1024xf32, #tpu.memory_space<hbm>>
    %dma_wait3A_103 = arith.constant 0 : i32
    %dma_wait3A_104 = arith.constant 0 : i32
    %dma_wait3A_105 = tpu.memref_slice %arg9[%dma_wait3A, %dma_wait3A_103, %dma_wait3A_104] : memref<2x16x1024xf32, #tpu.memory_space<vmem>> -> memref<1x16x1024xf32, #tpu.memory_space<vmem>>
    %dma_wait3A_106 = tpu.memref_squeeze %dma_wait3A_105 : memref<1x16x1024xf32, #tpu.memory_space<vmem>> -> memref<16x1024xf32, #tpu.memory_space<vmem>>
    tpu.wait_dma2 semaphore(%arg14 : memref<!tpu.dma_semaphore, #tpu.memory_space<semaphore_mem>>) src(%dma_wait3A_106 : memref<16x1024xf32, #tpu.memory_space<vmem>>) dst(%dma_wait3A_102 : memref<16x1024xf32, #tpu.memory_space<hbm>>)
    %dma_wait3A_107 = arith.constant 1 : i32
    %dma_wait3A_108 = arith.constant 0 : i32
    %dma_wait3A_109 = arith.constant 0 : i32
    %dma_wait3A_110 = arith.constant 0 : i32
    %dma_wait3A_111 = tpu.memref_slice %arg9[%dma_wait3A_107, %dma_wait3A_109, %dma_wait3A_110] : memref<2x16x1024xf32, #tpu.memory_space<vmem>> -> memref<1x16x1024xf32, #tpu.memory_space<vmem>>
    %dma_wait3A_112 = tpu.memref_squeeze %dma_wait3A_111 : memref<1x16x1024xf32, #tpu.memory_space<vmem>> -> memref<16x1024xf32, #tpu.memory_space<vmem>>
    %dma_wait3A_113 = arith.constant 0 : i32
    %dma_wait3A_114 = arith.constant 0 : i32
    %dma_wait3A_115 = tpu.memref_slice %arg5[%dma_wait3A_108, %dma_wait3A_113, %dma_wait3A_114] : memref<4x4096x1024xf32, #tpu.memory_space<hbm>> -> memref<1x16x1024xf32, #tpu.memory_space<hbm>>
    %dma_wait3A_116 = tpu.memref_squeeze %dma_wait3A_115 : memref<1x16x1024xf32, #tpu.memory_space<hbm>> -> memref<16x1024xf32, #tpu.memory_space<hbm>>
    %dma_wait3A_117 = arith.constant 0 : i32
    %dma_wait3A_118 = arith.constant 0 : i32
    %dma_wait3A_119 = tpu.memref_slice %arg5[%dma_wait3A_108, %dma_wait3A_117, %dma_wait3A_118] : memref<4x4096x1024xf32, #tpu.memory_space<hbm>> -> memref<1x16x1024xf32, #tpu.memory_space<hbm>>
    %dma_wait3A_120 = tpu.memref_squeeze %dma_wait3A_119 : memref<1x16x1024xf32, #tpu.memory_space<hbm>> -> memref<16x1024xf32, #tpu.memory_space<hbm>>
    %dma_wait3A_121 = arith.constant 0 : i32
    %dma_wait3A_122 = arith.constant 0 : i32
    %dma_wait3A_123 = tpu.memref_slice %arg9[%dma_wait3A_107, %dma_wait3A_121, %dma_wait3A_122] : memref<2x16x1024xf32, #tpu.memory_space<vmem>> -> memref<1x16x1024xf32, #tpu.memory_space<vmem>>
    %dma_wait3A_124 = tpu.memref_squeeze %dma_wait3A_123 : memref<1x16x1024xf32, #tpu.memory_space<vmem>> -> memref<16x1024xf32, #tpu.memory_space<vmem>>
    tpu.wait_dma2 semaphore(%arg15 : memref<!tpu.dma_semaphore, #tpu.memory_space<semaphore_mem>>) src(%dma_wait3A_124 : memref<16x1024xf32, #tpu.memory_space<vmem>>) dst(%dma_wait3A_120 : memref<16x1024xf32, #tpu.memory_space<hbm>>)
    return
  }
}

</mosaic_0001>

<sc_bundles>
// kernel: kernel.3.cloned.1.call-start
scs
__scs_entry_jumppad:
0x0: {  	(pc) =	sbr.rel $0x88, $3  }
0x1: {  	(tag) =	ssettag $0x0;
	lr =	simm.s32 $0x1  }
0x2: {  	[smem:$0x3F9E] =	sst lr;
	_ =	strace $0xD0000000  }
0x3: {  	_ = 	snop  }
0x4: {  	_ = 	snop  }
0x5: {  	_ = 	snop  }
0x6: {  	_ = 	snop  }
0x7: {  	_ = 	snop  }
__scs_overlays_trampoline_lowered:
0x8: {  	[smem:$0x3FAD] =	sst s0  }
0x9: {  	[smem:$0x3FAE] =	sst s1  }
0xa: {  	[smem:$0x3FAF] =	sst s2  }
0xb: {  	[smem:$0x3FB0] =	sst s3  }
0xc: {  	[smem:$0x3FB1] =	sst s4  }
0xd: {  	[smem:$0x3FB2] =	sst s5  }
0xe: {  	[smem:$0x3FB3] =	sst s6  }
0xf: {  	[smem:$0x3FB4] =	sst s7  }
0x10: {  	[smem:$0x3FB5] =	sst s8  }
0x11: {  	[smem:$0x3FB6] =	sst s9;
	s0 =	simm.s32 @!p0 $0x0  }
0x12: {  	s1 =	sld [smem:$0x3F9C];
	s0 =	simm.s32 @p0 $0x1  }
0x13: {  	[smem:$0x3FB7] =	sst s0;
	s0 =	simm.s32 @!p1 $0x0  }
0x14: {  	s2 =	sld [smem:$0x3F9B];
	s0 =	simm.s32 @p1 $0x1  }
0x15: {  	[smem:$0x3FB8] =	sst s0;
	s0 =	simm.s32 @!p2 $0x0  }
0x16: {  	s3 =	sld [smem:$0x3FDB];
	s0 =	simm.s32 @p2 $0x1  }
0x17: {  	s4 =	simm.s32 $0x1BF5;
	[smem:$0x3FBA] =	sst s0  }
0x18: {  	s0 =	sld [smem:$0x3F9D];
	_ =	swait.ge [sflag:s4], $0x0  }
0x19: {  	s7 =	sld [smem:$0x3F9E]  }
0x1a: {  	s8 =	sadd.s32 $0xFFFFE003, lr  }
0x1b: {  	s9 =	sadd.s32 $0xFFFFFEF7, lr;
	s5 =	simm.s32 $0xFFFFFFFF;
	p2 =	slt.u32 s8, $0xFFFFF086  }
0x1c: {  	p1 =	slt.u32 s9, $0xF7A;
	s5 =	simm.s32 @!p2 $0x0  }
0x1d: {  	s5 =	simm.s32 @p1 $0x1;
	p0 =	seq.s32 s7, s2  }
0x1e: {  	s7 =	smul.u32 @!p0 $0xF7A, s2;
	p2 =	seq.s32 @!p0 s5, $0x0  }
0x1f: {  	s9 =	smul.u32 $0xF7A, s1;
	s8 =	simm.s32 @!p0 $0x1BF5;
	p2 =	por !p2, p0  }
0x20: {  	[sflag:s8] =	ssyncset.s32 @!p0 $0xFFFFF086;
	s6 =	sadd.s32 @!p0 s3, s7;
	s7 =	simm.s32 @!p0 $0x108  }
0x21: {  	s3 =	sadd.s32 s3, s9;
	s6 =	sadd.s32 @!p0 $0x88, s6;
	s7 =	simm.s32 @p2 $0x1082  }
0x22: {  	[simem:s7], [sflag:s8] =	dma.local @!p0 [hbm:s6], $0xF7A  }
0x23: {  	s9 =	sor.u32 $0xD0000000, s2;
	s6 =	simm.s32 $0x108;
	_ =	swait.ge @!p0 [sflag:s8], $0x0  }
0x24: {  	s3 =	sadd.s32 $0x88, s3;
	s6 =	simm.s32 @!p1 $0x1082;
	[sflag:s4] =	ssyncset.s32 $0xFFFFF086  }
0x25: {  	[simem:s6], [sflag:s4] =	dma.local [hbm:s3], $0xF7A  }
0x26: {  	[smem:$0x3F9E] =	sst s1;
	(tag) =	ssettag s2;
	_ =	strace s9  }
0x27: {  	s1 =	sld [smem:$0x3FAE]  }
0x28: {  	s2 =	sld [smem:$0x3FAF]  }
0x29: {  	s4 =	sld [smem:$0x3FB1]  }
0x2a: {  	p0 =	seq.s32 s5, $0x0;
	s5 =	sld [smem:$0x3FB2]  }
0x2b: {  	s6 =	sld [smem:$0x3FB3]  }
0x2c: {  	s7 =	sld [smem:$0x3FB4]  }
0x2d: {  	s3 =	simm.s32 $0x108;
	s8 =	sld [smem:$0x3FB5]  }
0x2e: {  	s3 =	simm.s32 @!p0 $0x1082;
	s9 =	sld [smem:$0x3FB6]  }
0x2f: {  	lr =	sadd.s32 s0, s3;
	s0 =	sld [smem:$0x3FAD]  }
0x30: {  	s3 =	sld [smem:$0x3FB0]  }
0x31: {  	[smem:$0x3FB9] =	sst s10  }
0x32: {  	s10 =	sld [smem:$0x3FB7];
	_ =	sdelay $0x3  }
0x33: {  	p0 =	seq.s32 s10, $0x1;
	s10 =	sld [smem:$0x3FB9];
	_ =	sdelay $0x3  }
0x34: {  	[smem:$0x3FB9] =	sst s10  }
0x35: {  	s10 =	sld [smem:$0x3FB8];
	_ =	sdelay $0x3  }
0x36: {  	p1 =	seq.s32 s10, $0x1;
	s10 =	sld [smem:$0x3FB9];
	_ =	sdelay $0x3  }
0x37: {  	[smem:$0x3FB9] =	sst s10  }
0x38: {  	s10 =	sld [smem:$0x3FBA]  }
0x39: {  	_ = 	snop;
	(pc) =	sbr.ind lr, $3  }
0x3a: {  	_ = 	snop  }
0x3b: {  	_ = 	snop  }
0x3c: {  	p2 =	seq.s32 s10, $0x1;
	s10 =	sld [smem:$0x3FB9]  }
0x3d: {  	_ =	shalt  }
0x3e: {  	_ =	shalt  }
0x3f: {  	_ =	shalt  }
0x40: {  	_ =	shalt  }
0x41: {  	_ =	shalt  }
0x42: {  	_ =	shalt  }
0x43: {  	_ =	shalt  }
0x44: {  	_ =	shalt  }
0x45: {  	_ =	shalt  }
0x46: {  	_ =	shalt  }
0x47: {  	_ =	shalt  }
0x48: {  	_ =	shalt  }
0x49: {  	_ =	shalt  }
0x4a: {  	_ =	shalt  }
0x4b: {  	_ =	shalt  }
0x4c: {  	_ =	shalt  }
0x4d: {  	_ =	shalt  }
0x4e: {  	_ =	shalt  }
0x4f: {  	_ =	shalt  }
0x50: {  	_ =	shalt  }
0x51: {  	_ =	shalt  }
0x52: {  	_ =	shalt  }
0x53: {  	_ =	shalt  }
0x54: {  	_ =	shalt  }
0x55: {  	_ =	shalt  }
0x56: {  	_ =	shalt  }
0x57: {  	_ =	shalt  }
0x58: {  	_ =	shalt  }
0x59: {  	_ =	shalt  }
0x5a: {  	_ =	shalt  }
0x5b: {  	_ =	shalt  }
0x5c: {  	_ =	shalt  }
0x5d: {  	_ =	shalt  }
0x5e: {  	_ =	shalt  }
0x5f: {  	_ =	shalt  }
0x60: {  	_ =	shalt  }
0x61: {  	_ =	shalt  }
0x62: {  	_ =	shalt  }
0x63: {  	_ =	shalt  }
0x64: {  	_ =	shalt  }
0x65: {  	_ =	shalt  }
0x66: {  	_ =	shalt  }
0x67: {  	_ =	shalt  }
0x68: {  	_ =	shalt  }
0x69: {  	_ =	shalt  }
0x6a: {  	_ =	shalt  }
0x6b: {  	_ =	shalt  }
0x6c: {  	_ =	shalt  }
0x6d: {  	_ =	shalt  }
0x6e: {  	_ =	shalt  }
0x6f: {  	_ =	shalt  }
0x70: {  	_ =	shalt  }
0x71: {  	_ =	shalt  }
0x72: {  	_ =	shalt  }
0x73: {  	_ =	shalt  }
0x74: {  	_ =	shalt  }
0x75: {  	_ =	shalt  }
0x76: {  	_ =	shalt  }
0x77: {  	_ =	shalt  }
0x78: {  	_ =	shalt  }
0x79: {  	_ =	shalt  }
0x7a: {  	_ =	shalt  }
0x7b: {  	_ =	shalt  }
0x7c: {  	_ =	shalt  }
0x7d: {  	_ =	shalt  }
0x7e: {  	_ =	shalt  }
0x7f: {  	_ =	shalt  }
0x80: {  	_ =	shalt  }
0x81: {  	_ =	shalt  }
0x82: {  	_ =	shalt  }
0x83: {  	_ =	shalt  }
0x84: {  	_ =	shalt  }
0x85: {  	_ =	shalt  }
0x86: {  	_ =	shalt  }
0x87: {  	_ =	shalt  }
.Lfunc_end0:
.L_simem_size_0:
called_computation_lowered:
.L_overlay_start_0:
0x88: {  	s2 =	sld [smem:$0x3FD9]  }
0x89: {  	s3 =	sld [smem:$0x3FFE];
	_ =	sdelay $0x1  }
0x8a: {  	s1 =	srdreg.scid  }
0x8b: {  	s0 =	sand.u32 $0x1, s1  }
0x8c: {  	s18 =	sshll.u32 s0, $0xA;
	s2 =	sadd.s32 s3, s2  }
0x8d: {  	s2 =	sadd.s32 s2, s18  }
0x8e: {  	[smem:$0x3FC5] =	sst s2  }
0x8f: {  	_ = 	snop  }
0x90: {  	s2 =	sld [smem:$0x3FC9]  }
0x91: {  	s19 =	sld [smem:$0x3FC8]  }
0x92: {  	s4 =	sld [smem:$0x3FC7]  }
0x93: {  	s5 =	sld [smem:$0x3FD0];
	(tm) =	ssettm $0x1  }
0x94: {  	s6 =	sld [smem:$0x3FFB];
	_ =	sdelay $0x3  }
0x95: {  	_ =	strace s6  }
0x96: {  	s6 =	sld [smem:$0x3FFC];
	_ =	sdelay $0x3  }
0x97: {  	_ =	strace s6  }
0x98: {  	s6 =	sld [smem:$0x3FFD];
	_ =	sdelay $0x3  }
0x99: {  	_ =	strace s6  }
0x9a: {  	_ =	strace $0x8FFFFFFF  }
0x9b: {  	s20 =	sld [smem:$0x3FDB];
	_ =	sdelay $0x1  }
0x9c: {  	s7 =	simm.s32 $_scs_section_size  }
0x9d: {  	s8 =	simm.s32 $_size__tile_overlayer_lowered;
	s9 =	simm.s32 $_tile_overlayer_lowered  }
0x9e: {  	s23 =	simm.s32 $0x1BFF;
	s22 =	sshll.u32 s9, $0x1;
	s6 =	sadd.s32 s7, s20  }
0x9f: {  	s10 =	simm.s32 $0x0;
	s21 =	sshll.u32 s8, $0x1;
	s8 =	sadd.s32 s22, s6  }
0xa0: {  	[timem:s10], [sflag:s23] =	dma.local [hbm:s8], s21  }
0xa1: {  	_ =	swait.ge [sflag:s23], s21  }
0xa2: {  	s7 =	ssub.s32 $0x0, s21;
	[sflag:s23] =	ssyncset.done $0x0  }
0xa3: {  	[sflag:s23] =	ssyncadd.s32 s7;
	_ =	sdelay $0x1  }
0xa4: {  	s24 =	simm.s32 $0x1B8B  }
0xa5: {  	_ =	swait.ge [sflag:s24], $0x1  }
0xa6: {  	[sflag:s24] =	ssyncset.done $0x0  }
0xa7: {  	s25 =	simm.s32 $0x1B8E;
	[sflag:s24] =	ssyncadd.s32 $0xFFFFFFFF  }
0xa8: {  	s26 =	simm.s32 $execute0_lowered;
	[smem:$0x3FD2] =	sst s25  }
0xa9: {  	s7 =	sshll.u32 s26, $0x1;
	_ =	strace $0x80000046;
	[dreg:$0x1] =	wrdreg $0xFFFFFFFF  }
0xaa: {  	s28 =	simm.s32 $_size_execute0_lowered;
	s6 =	sadd.s32 s6, s7;
	[dreg:$0x0] =	wrdreg $0x0  }
0xab: {  	s7 =	sshll.u32 s28, $0x1;
	[dreg:$0x2] =	wrdreg s6  }
0xac: {  	[dreg:$0x3] =	wrdreg s7  }
0xad: {  	[dreg:$0x4] =	wrdreg $0xC0  }
0xae: {  	_ =	task [dreg:s10], $0x5FFFF  }
0xaf: {  	[dreg:$0x1] =	wrdreg $0xFFFFFFFF  }
0xb0: {  	[dreg:$0x0] =	wrdreg $0x60  }
0xb1: {  	[dreg:$0x2] =	wrdreg s2  }
0xb2: {  	[dreg:$0x3] =	wrdreg s19  }
0xb3: {  	[dreg:$0x4] =	wrdreg s4  }
0xb4: {  	[dreg:$0x5] =	wrdreg s5  }
0xb5: {  	[dreg:$0x6] =	wrdreg $0x9  }
0xb6: {  	_ =	task.clear_ibuf [dreg:s10], $0x7FFFF;
	_ =	strace $0x90000046  }
0xb7: {  	s29 =	simm.s32 $0x9;
	_ =	strace $0x80000048  }
0xb8: {  	_ =	swait.ge [sflag:s29], $0x1  }
0xb9: {  	[sflag:s29] =	ssyncadd.s32 $0xFFFFFFFF  }
0xba: {  	_ =	strace $0x90000048  }
0xbb: {  	_ =	sfence  }
0xbc: {  	s30 =	sld [smem:$0x0];
	_ =	sdelay $0x2  }
0xbd: {  	s31 =	sshll.u32 s1, $0xD;
	s1 =	sshrl.u32 s1, $0x2  }
0xbe: {  	s3 =	sand.u32 $0x4000, s31;
	s1 =	sadd.s32 s1, s30  }
0xbf: {  	s0 =	sor.u32 s3, s0;
	s1 =	sshll.u32 s1, $0x11  }
0xc0: {  	s0 =	sor.u32 s1, s0  }
0xc1: {  	s0 =	sadd.s32 $0x8F2B, s0  }
0xc2: {  	[sflag:s0] =	ssyncadd.remote.s32 $0x1  }
0xc3: {  	_ =	sfence.sel $0xFFFF  }
0xc4: {  	[dreg:$0x0] =	wrdreg $0xFFFFFFFF;
	(pc) =	sbr.abs _section_cstart, $3  }
0xc5: {  	[dreg:$0x1] =	wrdreg $0xFFFFFFFF  }
0xc6: {  	_ =	task.clear_ibuf [dreg:s10], $0x2FFFF;
	_ =	strace $0x9FFFFFFF  }
0xc7: {  	(tm) =	ssettm $0x7FFFFFFF  }
tec
execute0_lowered:
.L_overlay_start_1:
0x0: {  	(tag) =	ssettag $0x1  }
0x1: {  	s2 =	rddreg [dreg:$0x0]  }
0x2: {  	s0 =	rddreg [dreg:$0x1]  }
0x3: {  	s3 =	rddreg [dreg:$0x2]  }
0x4: {  	s4 =	rddreg [dreg:$0x3]  }
0x5: {  	s7 =	stileid.u32;
	s1 =	srdreg.scid  }
0x6: {  	s5 =	simm.s32 $0x0;
	s16 =	simm.s32 $0x6A00;
	s18 =	simm.s32 $0x7200  }
0x7: {  	s21 =	simm.s32 $0x7A00;
	s22 =	simm.s32 $0x1;
	s23 =	simm.s32 $0x3  }
0x8: {  	s24 =	simm.s32 $0x10200;
	s28 =	simm.s32 $0x14200;
	s6 =	sshll.u32 s7, $0x1  }
0x9: {  	s1 =	sand.u32 $0x1, s1;
	[smem:$0x7FF] =	sst s5;
	s8 =	sshrl.u32 s7, $0x2  }
0xa: {  	s12 =	sadd.s32 $0x100, s3;
	s13 =	sadd.s32 $0x200, s3;
	s6 =	sand.u32 $0x6, s6  }
0xb: {  	s14 =	sadd.s32 $0x300, s3;
	_ =	strace $0x80000047;
	s9 =	sor.u32 s1, s6  }
0xc: {  	s1 =	ssub.s32 $0x2, s1;
	s6 =	sshll.u32 s8, $0x16;
	s8 =	sshll.u32 s8, $0x4  }
0xd: {  	s25 =	sshll.u32 s9, $0x13;
	s10 =	sshrl.u32 s1, $0x1;
	s29 =	sshll.u32 s9, $0x8  }
0xe: {  	s0 =	sadd.s32 s0, s8;
	s9 =	sshll.u32 s9, $0x9;
	s7 =	sor.u32 s6, s25  }
.Ltmp0:
0xf: {  	s1 =	ssub.s32 s1, s10;
	s0 =	sadd.s32 s29, s0;
	(pc) =	sbr.rel .LBB2_1-.Ltmp0, $4  }
0x10: {  	s26 =	sshrl.u32 s7, $0x3;
	[dreg:$0x7] =	wrdreg s0;
	s31 =	smax.u32 s1, $0x1  }
0x11: {  	v2 =	vlaneseq.u32;
	s25 =	simm.s32 $0x2;
	s11 =	sadd.s32 s2, s26;
	[dreg:$0x8] =	wrdreg s31  }
0x12: {  	vm0 =	vmmov $0xffff;
	v1 =	vshrl.u32 v2, $0x3;
	s10 =	simm.s32 $0x0;
	[dreg:$0x5] =	wrdreg s11;
	s30 =	sadd.s32 $0x800, s11  }
0x13: {  	v0 =	vand.u32 $0x7, v2;
	v2 =	vor.u32 $0x8, v2;
	v1 =	vmul.u32 $0x8, v1;
	s1 =	simm.s32 $0x6200;
	s26 =	simm.s32 $0x4;
	[dreg:$0x6] =	wrdreg s30  }
.LBB2_12:
0x14: {  	s0 =	simm.s32 $0x5  }
0x15: {  	_ =	swait.ge [sflag:s0], $0x4000  }
0x16: {  	[sflag:s0] =	ssyncset.done $0x0  }
0x17: {  	s8 =	simm.s32 $0x6;
	[sflag:s0] =	ssyncadd.s32 $0xFFFFC000  }
0x18: {  	_ =	swait.ge [sflag:s8], $0x4000  }
0x19: {  	s10 =	rddreg [dreg:$0x9]  }
0x1a: {  	s31 =	rddreg [dreg:$0x8];
	s10 =	sadd.s32 $0x1, s10  }
0x1b: {  	p0 =	sne.s32 s10, s31  }
.Ltmp1:
0x1c: {  	_ = 	snop;
	(pc) =	sbr.rel @!p0 .LBB2_13-.Ltmp1, $3  }
0x1d: {  	_ =	sdelay $0x1  }
0x1e: {  	[sflag:s8] =	ssyncset.done $0x0  }
0x1f: {  	[sflag:s8] =	ssyncadd.s32 $0xFFFFC000  }
.LBB2_1:
0x20: {  	[dreg:$0x9] =	wrdreg s10  }
0x21: {  	s0 =	rddreg [dreg:$0x5]  }
0x22: {  	s8 =	simm.s32 $0x8200;
	s15 =	rddreg [dreg:$0x6]  }
0x23: {  	[tilespmem:s8], [sflag:$0x3] =	stream.linear.gather [hbm4b:s0+s5], $0x4000, $0x38;
	[tilespmem:$0x18200] =	vst v63  }
0x24: {  	s17 =	simm.s32 $0xC200;
	s19 =	rddreg [dreg:$0x7]  }
0x25: {  	[tilespmem:s17], [sflag:$0x4] =	stream.linear.gather [hbm4b:s15+s5], $0x4000, $0x38;
	[tilespmem:$0x18200] =	vst v63  }
0x26: {  	s20 =	simm.s32 $0x80;
	s29 =	simm.s32 $0x200;
	s30 =	simm.s32 $0x7  }
0x27: {  	[tilespmem:s5], [sflag:$0x7] =	stream.strided.gather [hbm4b:s19+s20], $0x200, s29, s20, $0x38;
	[tilespmem:$0x18200] =	vst v63  }
0x28: {  	_ =	swait.ge [sflag:s30], $0x200  }
0x29: {  	[sflag:s30] =	ssyncset.done $0x0  }
0x2a: {  	[sflag:s30] =	ssyncadd.s32 $0xFFFFFE00  }
0x2b: {  	v3 =	vld [tilespmem:$0x0];
	_ =	sdelay $0x4  }
0x2c: {  	v4 =	vshll.u32 v3, $0x3  }
0x2d: {  	v3 =	vand.u32 $0x7, v3;
	v4 =	vand.u32 $0xFFFFFFC0, v4  }
0x2e: {  	v3 =	vor.u32 v3, v4  }
0x2f: {  	v4 =	vperm.xlane v3, v0;
	_ =	sdelay $0x1  }
0x30: {  	v4 =	vadd.s32 v1, v4;
	_ =	sdelay $0x4  }
0x31: {  	[tilespmem:s29], [sflag:$0x1] =	stream.indirect_vreg.gather [hbm4b:s3+s5], $0x80, v4, vm0, $0xb8;
	[tilespmem:$0x18200] =	vst v63  }
0x32: {  	s31 =	simm.s32 $0xA00;
	v3 =	vperm.xlane v3, v2  }
0x33: {  	[tilespmem:s31], [sflag:$0x1] =	stream.indirect_vreg.gather [hbm4b:s12+s5], $0x80, v4, vm0, $0xb8;
	[tilespmem:$0x18200] =	vst v63  }
0x34: {  	s8 =	simm.s32 $0x1200;
	v3 =	vadd.s32 v1, v3  }
0x35: {  	[tilespmem:s8], [sflag:$0x1] =	stream.indirect_vreg.gather [hbm4b:s13+s5], $0x80, v4, vm0, $0xb8;
	[tilespmem:$0x18200] =	vst v63  }
0x36: {  	s10 =	simm.s32 $0x1A00  }
0x37: {  	[tilespmem:s10], [sflag:$0x1] =	stream.indirect_vreg.gather [hbm4b:s14+s5], $0x80, v4, vm0, $0xb8;
	[tilespmem:$0x18200] =	vst v63  }
0x38: {  	s11 =	simm.s32 $0x2200  }
0x39: {  	[tilespmem:s11], [sflag:$0x1] =	stream.indirect_vreg.gather [hbm4b:s3+s5], $0x80, v3, vm0, $0xb8;
	[tilespmem:$0x18200] =	vst v63  }
0x3a: {  	s15 =	simm.s32 $0x2A00  }
0x3b: {  	[tilespmem:s15], [sflag:$0x1] =	stream.indirect_vreg.gather [hbm4b:s12+s5], $0x80, v3, vm0, $0xb8;
	[tilespmem:$0x18200] =	vst v63  }
0x3c: {  	s17 =	simm.s32 $0x3200  }
0x3d: {  	[tilespmem:s17], [sflag:$0x1] =	stream.indirect_vreg.gather [hbm4b:s13+s5], $0x80, v3, vm0, $0xb8;
	[tilespmem:$0x18200] =	vst v63  }
0x3e: {  	s19 =	simm.s32 $0x3A00  }
0x3f: {  	[tilespmem:s19], [sflag:$0x1] =	stream.indirect_vreg.gather [hbm4b:s14+s5], $0x80, v3, vm0, $0xb8;
	[tilespmem:$0x18200] =	vst v63  }
0x40: {  	v3 =	vld [tilespmem:$0x10];
	_ =	sdelay $0x4  }
0x41: {  	v63 =	vshll.u32 v3, $0x3  }
0x42: {  	v3 =	vand.u32 $0x7, v3;
	v4 =	vand.u32 $0xFFFFFFC0, v63  }
0x43: {  	v3 =	vor.u32 v3, v4  }
0x44: {  	v4 =	vperm.xlane v3, v0;
	_ =	sdelay $0x1  }
0x45: {  	v4 =	vadd.s32 v1, v4;
	_ =	sdelay $0x3  }
0x46: {  	s20 =	simm.s32 $0x4200  }
0x47: {  	[tilespmem:s20], [sflag:$0x2] =	stream.indirect_vreg.gather [hbm4b:s3+s5], $0x80, v4, vm0, $0xb8;
	[tilespmem:$0x18200] =	vst v63  }
0x48: {  	s29 =	simm.s32 $0x4A00;
	v3 =	vperm.xlane v3, v2  }
0x49: {  	[tilespmem:s29], [sflag:$0x2] =	stream.indirect_vreg.gather [hbm4b:s12+s5], $0x80, v4, vm0, $0xb8;
	[tilespmem:$0x18200] =	vst v63  }
0x4a: {  	s30 =	simm.s32 $0x5200;
	v3 =	vadd.s32 v1, v3  }
0x4b: {  	[tilespmem:s30], [sflag:$0x2] =	stream.indirect_vreg.gather [hbm4b:s13+s5], $0x80, v4, vm0, $0xb8;
	[tilespmem:$0x18200] =	vst v63  }
0x4c: {  	s31 =	simm.s32 $0x5A00  }
0x4d: {  	[tilespmem:s31], [sflag:$0x2] =	stream.indirect_vreg.gather [hbm4b:s14+s5], $0x80, v4, vm0, $0xb8;
	[tilespmem:$0x18200] =	vst v63  }
0x4e: {  	_ = 	snop  }
0x4f: {  	[tilespmem:s1], [sflag:$0x2] =	stream.indirect_vreg.gather [hbm4b:s3+s5], $0x80, v3, vm0, $0xb8;
	[tilespmem:$0x18200] =	vst v63  }
0x50: {  	_ = 	snop  }
0x51: {  	[tilespmem:s16], [sflag:$0x2] =	stream.indirect_vreg.gather [hbm4b:s12+s5], $0x80, v3, vm0, $0xb8;
	[tilespmem:$0x18200] =	vst v63  }
0x52: {  	_ = 	snop  }
0x53: {  	[tilespmem:s18], [sflag:$0x2] =	stream.indirect_vreg.gather [hbm4b:s13+s5], $0x80, v3, vm0, $0xb8;
	[tilespmem:$0x18200] =	vst v63  }
0x54: {  	s15 =	simm.s32 $0x0  }
0x55: {  	[tilespmem:s21], [sflag:$0x2] =	stream.indirect_vreg.gather [hbm4b:s14+s5], $0x80, v3, vm0, $0xb8;
	[tilespmem:$0x18200] =	vst v63  }
.LBB2_2:
0x56: {  	_ =	swait.ge [sflag:s22], $0x4000  }
0x57: {  	[sflag:s22] =	ssyncset.done $0x0  }
0x58: {  	[sflag:s22] =	ssyncadd.s32 $0xFFFFC000  }
0x59: {  	_ =	swait.ge [sflag:s23], $0x4000  }
0x5a: {  	p0 =	seq.s32 s15, $0x0;
	[sflag:s23] =	ssyncset.done $0x0  }
0x5b: {  	s10 =	simm.s32 @!p0 $0x5;
	[sflag:s23] =	ssyncadd.s32 $0xFFFFC000  }
0x5c: {  	_ =	swait.ge @!p0 [sflag:s10], $0x4000  }
0x5d: {  	s8 =	sshll.u32 s15, $0x5;
	[sflag:s10] =	ssyncset.done @!p0 $0x0  }
0x5e: {  	s20 =	simm.s32 $0x0;
	[sflag:s10] =	ssyncadd.s32 @!p0 $0xFFFFC000;
	s10 =	simm.s32 $0x0  }
.LBB2_3:
0x5f: {  	s11 =	sshll.u32 s10, $0xA;
	s17 =	sshll.u32 s10, $0x7  }
0x60: {  	s11 =	sand.u32 $0x2000, s11;
	s17 =	sand.u32 $0x380, s17  }
0x61: {  	s19 =	sor.u32 s11, s17;
	s17 =	sand.u32 $0x40, s20  }
0x62: {  	s0 =	sand.u32 $0x1C00, s20;
	s11 =	sor.u32 s17, s19  }
0x63: {  	s11 =	sor.u32 s0, s11  }
0x64: {  	v8 =	vld [tilespmem:s11+$0x230]  }
0x65: {  	v9 =	vld [tilespmem:s11+$0x8230]  }
0x66: {  	v4 =	vld [tilespmem:s11+$0x200]  }
0x67: {  	v5 =	vld [tilespmem:s11+$0x8200]  }
0x68: {  	s0 =	simm.s32 $0x40;
	v3 =	vld [tilespmem:s11+$0x210]  }
0x69: {  	s17 =	simm.s32 $0x200;
	s29 =	sand.u32 $0x40, s0;
	v6 =	vld [tilespmem:s11+$0x8210]  }
0x6a: {  	s30 =	sand.u32 $0x1C00, s17;
	v7 =	vld [tilespmem:s11+$0x220];
	s31 =	sor.u32 s29, s19;
	s29 =	simm.s32 $0x80;
	v8 =	vadd.f32 v9, v8  }
.LBB2_4:
0x6b: {  	p1 =	sne.s32 s29, $0x3C0;
	v9 =	vld [tilespmem:s11+$0x8220];
	s0 =	smov.u32 s11;
	s11 =	sor.u32 s30, s31  }
0x6c: {  	v10 =	vld [tilespmem:s11+$0x230];
	v5 =	vadd.f32 v5, v4;
	[tilespmem:s0+$0x10230] =	vst v8  }
0x6d: {  	v8 =	vld [tilespmem:s11+$0x8230]  }
.Ltmp2:
0x6e: {  	v4 =	vld [tilespmem:s11+$0x200];
	[tilespmem:s0+$0x10200] =	vst v5;
	v6 =	vadd.f32 v6, v3;
	(pc) =	sbr.rel @p1 .LBB2_4-.Ltmp2, $4  }
0x6f: {  	v5 =	vld [tilespmem:s11+$0x8200]  }
0x70: {  	v3 =	vld [tilespmem:s11+$0x210];
	[tilespmem:s0+$0x10210] =	vst v6;
	v9 =	vadd.f32 v9, v7  }
0x71: {  	s31 =	sand.u32 $0x40, s29;
	s17 =	sadd.s32 $0x200, s17;
	v6 =	vld [tilespmem:s11+$0x8210]  }
0x72: {  	s29 =	sadd.s32 $0x40, s29;
	s30 =	sand.u32 $0x1C00, s17;
	s31 =	sor.u32 s31, s19;
	v7 =	vld [tilespmem:s11+$0x220];
	v8 =	vadd.f32 v8, v10;
	[tilespmem:s0+$0x10220] =	vst v9  }
0x73: {  	s0 =	sor.u32 s30, s31;
	v9 =	vld [tilespmem:s11+$0x8220]  }
0x74: {  	v10 =	vld [tilespmem:s0+$0x230];
	[tilespmem:s11+$0x10230] =	vst v8;
	v4 =	vadd.f32 v5, v4  }
0x75: {  	v59 =	vld [tilespmem:s0+$0x8230]  }
0x76: {  	v8 =	vld [tilespmem:s0+$0x200];
	[tilespmem:s11+$0x10200] =	vst v4;
	v3 =	vadd.f32 v6, v3  }
0x77: {  	v4 =	vld [tilespmem:s0+$0x8200]  }
0x78: {  	v60 =	vld [tilespmem:s0+$0x210];
	[tilespmem:s11+$0x10210] =	vst v3;
	v3 =	vadd.f32 v9, v7  }
0x79: {  	v61 =	vld [tilespmem:s0+$0x8210]  }
0x7a: {  	v62 =	vld [tilespmem:s0+$0x220];
	[tilespmem:s11+$0x10220] =	vst v3  }
0x7b: {  	v3 =	vld [tilespmem:s0+$0x8220]  }
0x7c: {  	s10 =	sadd.s32 $0x1, s10  }
0x7d: {  	p1 =	sne.s32 s10, $0x10;
	v5 =	vadd.f32 v59, v10  }
.Ltmp3:
0x7e: {  	v4 =	vadd.f32 v4, v8;
	(pc) =	sbr.rel @p1 .LBB2_3-.Ltmp3, $4  }
0x7f: {  	[tilespmem:s0+$0x10230] =	vst v5;
	v63 =	vadd.f32 v61, v60  }
0x80: {  	[tilespmem:s0+$0x10200] =	vst v4;
	v3 =	vadd.f32 v3, v62  }
0x81: {  	[tilespmem:s0+$0x10210] =	vst v63  }
0x82: {  	[tilespmem:s0+$0x10220] =	vst v3  }
0x83: {  	s0 =	sshll.u32 s15, $0xF  }
0x84: {  	s0 =	sadd.s32 s7, s0  }
0x85: {  	s0 =	sshrl.u32 s0, $0x3  }
0x86: {  	p1 =	seq.s32 s15, $0xF;
	s0 =	sadd.s32 s4, s0  }
0x87: {  	[hbm4b:s0+s5] =	stream.linear.scatter [tilespmem:s24], [sflag:$0x5], $0x4000, $0x38;
	[tilespmem:$0x18200] =	vst v63  }
0x88: {  	v3 =	vld @!p1 [tilespmem:s8+$0x20];
	_ =	sdelay $0x4  }
0x89: {  	v4 =	vshll.u32 @!p1 v3, $0x3  }
0x8a: {  	v5 =	vlaneseq.u32 @!p1;
	v3 =	vand.u32 @!p1 $0x7, v3;
	v4 =	vand.u32 @!p1 $0xFFFFFFC0, v4  }
0x8b: {  	v6 =	vshrl.u32 @!p1 v5, $0x3;
	v3 =	vor.u32 @!p1 v3, v4;
	v4 =	vand.u32 @!p1 $0x7, v5  }
0x8c: {  	v6 =	vmul.u32 @!p1 $0x8, v6;
	v4 =	vperm.xlane @!p1 v3, v4;
	_ =	sdelay $0x1  }
0x8d: {  	v4 =	vadd.s32 @!p1 v6, v4;
	_ =	sdelay $0x3  }
0x8e: {  	vm1 =	vmmov @!p1 $0xffff;
	s10 =	simm.s32 @!p1 $0x200;
	s0 =	simm.s32 @!p1 $0x0  }
0x8f: {  	v5 =	vor.u32 @!p1 $0x8, v5;
	[tilespmem:s10], [sflag:$0x1] =	stream.indirect_vreg.gather @!p1 [hbm4b:s3+s0], $0x80, v4, vm1, $0xb8;
	[tilespmem:$0x18200] =	vst v63  }
0x90: {  	v3 =	vperm.xlane @!p1 v3, v5;
	s10 =	simm.s32 @!p1 $0xA00  }
0x91: {  	[tilespmem:s10], [sflag:$0x1] =	stream.indirect_vreg.gather @!p1 [hbm4b:s12+s0], $0x80, v4, vm1, $0xb8;
	[tilespmem:$0x18200] =	vst v63  }
0x92: {  	v3 =	vadd.s32 @!p1 v6, v3;
	s10 =	simm.s32 @!p1 $0x1200  }
0x93: {  	[tilespmem:s10], [sflag:$0x1] =	stream.indirect_vreg.gather @!p1 [hbm4b:s13+s0], $0x80, v4, vm1, $0xb8;
	[tilespmem:$0x18200] =	vst v63  }
0x94: {  	s10 =	simm.s32 @!p1 $0x1A00  }
0x95: {  	[tilespmem:s10], [sflag:$0x1] =	stream.indirect_vreg.gather @!p1 [hbm4b:s14+s0], $0x80, v4, vm1, $0xb8;
	[tilespmem:$0x18200] =	vst v63  }
0x96: {  	s10 =	simm.s32 @!p1 $0x2200  }
0x97: {  	[tilespmem:s10], [sflag:$0x1] =	stream.indirect_vreg.gather @!p1 [hbm4b:s3+s0], $0x80, v3, vm1, $0xb8;
	[tilespmem:$0x18200] =	vst v63  }
0x98: {  	s10 =	simm.s32 @!p1 $0x2A00  }
0x99: {  	[tilespmem:s10], [sflag:$0x1] =	stream.indirect_vreg.gather @!p1 [hbm4b:s12+s0], $0x80, v3, vm1, $0xb8;
	[tilespmem:$0x18200] =	vst v63  }
0x9a: {  	s10 =	simm.s32 @!p1 $0x3200  }
0x9b: {  	[tilespmem:s10], [sflag:$0x1] =	stream.indirect_vreg.gather @!p1 [hbm4b:s13+s0], $0x80, v3, vm1, $0xb8;
	[tilespmem:$0x18200] =	vst v63  }
0x9c: {  	s10 =	sadd.s32 @!p1 $0x20, s8  }
0x9d: {  	s11 =	simm.s32 @!p1 $0x3A00;
	s10 =	sadd.s32 @!p1 s9, s10  }
0x9e: {  	[tilespmem:s11], [sflag:$0x1] =	stream.indirect_vreg.gather @!p1 [hbm4b:s14+s0], $0x80, v3, vm1, $0xb8;
	[tilespmem:$0x18200] =	vst v63  }
0x9f: {  	s10 =	sshll.u32 @!p1 s10, $0xA  }
0xa0: {  	s10 =	sadd.s32 @!p1 s6, s10  }
0xa1: {  	s10 =	sshrl.u32 @!p1 s10, $0x3  }
0xa2: {  	s11 =	simm.s32 @!p1 $0x8200;
	s10 =	sadd.s32 @!p1 s2, s10  }
0xa3: {  	[tilespmem:s11], [sflag:$0x3] =	stream.linear.gather @!p1 [hbm4b:s10+s0], $0x4000, $0x38;
	[tilespmem:$0x18200] =	vst v63  }
0xa4: {  	_ =	swait.ge [sflag:s25], $0x4000  }
0xa5: {  	[sflag:s25] =	ssyncset.done $0x0  }
0xa6: {  	[sflag:s25] =	ssyncadd.s32 $0xFFFFC000  }
0xa7: {  	_ =	swait.ge [sflag:s26], $0x4000  }
0xa8: {  	[sflag:s26] =	ssyncset.done $0x0  }
0xa9: {  	s0 =	simm.s32 @!p0 $0x6;
	[sflag:s26] =	ssyncadd.s32 $0xFFFFC000  }
0xaa: {  	_ =	swait.ge @!p0 [sflag:s0], $0x4000  }
0xab: {  	[sflag:s0] =	ssyncset.done @!p0 $0x0  }
0xac: {  	s20 =	simm.s32 $0x0;
	s10 =	simm.s32 $0x0;
	[sflag:s0] =	ssyncadd.s32 @!p0 $0xFFFFC000  }
.LBB2_7:
0xad: {  	s0 =	sshll.u32 s10, $0xA;
	s11 =	sshll.u32 s10, $0x7  }
0xae: {  	s0 =	sand.u32 $0x2000, s0;
	s11 =	sand.u32 $0x380, s11  }
0xaf: {  	s19 =	sor.u32 s11, s0;
	s11 =	sand.u32 $0x40, s20  }
0xb0: {  	s17 =	sand.u32 $0x1C00, s20;
	s0 =	sor.u32 s11, s19  }
0xb1: {  	s11 =	sor.u32 s17, s0  }
0xb2: {  	v8 =	vld [tilespmem:s11+$0x4230]  }
0xb3: {  	v9 =	vld [tilespmem:s11+$0xC230]  }
0xb4: {  	v4 =	vld [tilespmem:s11+$0x4200]  }
0xb5: {  	v5 =	vld [tilespmem:s11+$0xC200]  }
0xb6: {  	s17 =	simm.s32 $0x40;
	v3 =	vld [tilespmem:s11+$0x4210]  }
0xb7: {  	s0 =	sand.u32 $0x40, s17;
	v6 =	vld [tilespmem:s11+$0xC210];
	s17 =	simm.s32 $0x200  }
0xb8: {  	s29 =	simm.s32 $0x80;
	v7 =	vld [tilespmem:s11+$0x4220];
	s30 =	sand.u32 $0x1C00, s17;
	s31 =	sor.u32 s0, s19;
	v8 =	vadd.f32 v9, v8  }
.LBB2_8:
0xb9: {  	p0 =	sne.s32 s29, $0x3C0;
	v9 =	vld [tilespmem:s11+$0xC220];
	s0 =	smov.u32 s11;
	s11 =	sor.u32 s30, s31  }
0xba: {  	v10 =	vld [tilespmem:s11+$0x4230];
	v5 =	vadd.f32 v5, v4;
	[tilespmem:s0+$0x14230] =	vst v8  }
0xbb: {  	v8 =	vld [tilespmem:s11+$0xC230]  }
.Ltmp4:
0xbc: {  	v4 =	vld [tilespmem:s11+$0x4200];
	[tilespmem:s0+$0x14200] =	vst v5;
	v6 =	vadd.f32 v6, v3;
	(pc) =	sbr.rel @p0 .LBB2_8-.Ltmp4, $4  }
0xbd: {  	v5 =	vld [tilespmem:s11+$0xC200]  }
0xbe: {  	v3 =	vld [tilespmem:s11+$0x4210];
	[tilespmem:s0+$0x14210] =	vst v6;
	v9 =	vadd.f32 v9, v7  }
0xbf: {  	s31 =	sand.u32 $0x40, s29;
	s17 =	sadd.s32 $0x200, s17;
	v6 =	vld [tilespmem:s11+$0xC210]  }
0xc0: {  	s29 =	sadd.s32 $0x40, s29;
	s30 =	sand.u32 $0x1C00, s17;
	s31 =	sor.u32 s31, s19;
	v7 =	vld [tilespmem:s11+$0x4220];
	v8 =	vadd.f32 v8, v10;
	[tilespmem:s0+$0x14220] =	vst v9  }
0xc1: {  	s0 =	sor.u32 s30, s31;
	v9 =	vld [tilespmem:s11+$0xC220]  }
0xc2: {  	v10 =	vld [tilespmem:s0+$0x4230];
	[tilespmem:s11+$0x14230] =	vst v8;
	v4 =	vadd.f32 v5, v4  }
0xc3: {  	v59 =	vld [tilespmem:s0+$0xC230]  }
0xc4: {  	v8 =	vld [tilespmem:s0+$0x4200];
	[tilespmem:s11+$0x14200] =	vst v4;
	v3 =	vadd.f32 v6, v3  }
0xc5: {  	v4 =	vld [tilespmem:s0+$0xC200]  }
0xc6: {  	v60 =	vld [tilespmem:s0+$0x4210];
	[tilespmem:s11+$0x14210] =	vst v3;
	v3 =	vadd.f32 v9, v7  }
0xc7: {  	v61 =	vld [tilespmem:s0+$0xC210]  }
0xc8: {  	v62 =	vld [tilespmem:s0+$0x4220];
	[tilespmem:s11+$0x14220] =	vst v3  }
0xc9: {  	v3 =	vld [tilespmem:s0+$0xC220]  }
0xca: {  	s10 =	sadd.s32 $0x1, s10  }
0xcb: {  	p0 =	sne.s32 s10, $0x10;
	v5 =	vadd.f32 v59, v10  }
.Ltmp5:
0xcc: {  	v4 =	vadd.f32 v4, v8;
	(pc) =	sbr.rel @p0 .LBB2_7-.Ltmp5, $4  }
0xcd: {  	[tilespmem:s0+$0x14230] =	vst v5;
	v63 =	vadd.f32 v61, v60  }
0xce: {  	[tilespmem:s0+$0x14200] =	vst v4;
	v3 =	vadd.f32 v3, v62  }
0xcf: {  	[tilespmem:s0+$0x14210] =	vst v63  }
0xd0: {  	[tilespmem:s0+$0x14220] =	vst v3  }
0xd1: {  	s0 =	sadd.s32 s8, s9  }
0xd2: {  	s0 =	sshll.u32 s0, $0xA  }
.Ltmp6:
0xd3: {  	s0 =	sadd.s32 s6, s0;
	(pc) =	sbr.rel @p1 .LBB2_12-.Ltmp6, $4  }
0xd4: {  	s0 =	sadd.s32 $0x4000, s0  }
0xd5: {  	s0 =	sshrl.u32 s0, $0x3  }
0xd6: {  	s0 =	sadd.s32 s4, s0  }
0xd7: {  	[hbm4b:s0+s5] =	stream.linear.scatter [tilespmem:s28], [sflag:$0x6], $0x4000, $0x38;
	[tilespmem:$0x18200] =	vst v63  }
0xd8: {  	v3 =	vld [tilespmem:s8+$0x30];
	_ =	sdelay $0x4  }
0xd9: {  	v4 =	vshll.u32 v3, $0x3  }
0xda: {  	v3 =	vand.u32 $0x7, v3;
	v4 =	vand.u32 $0xFFFFFFC0, v4  }
0xdb: {  	v3 =	vor.u32 v3, v4  }
0xdc: {  	v4 =	vperm.xlane v3, v0;
	_ =	sdelay $0x1  }
0xdd: {  	v4 =	vadd.s32 v1, v4;
	_ =	sdelay $0x3  }
0xde: {  	s0 =	simm.s32 $0x4200  }
0xdf: {  	[tilespmem:s0], [sflag:$0x2] =	stream.indirect_vreg.gather [hbm4b:s3+s5], $0x80, v4, vm0, $0xb8;
	[tilespmem:$0x18200] =	vst v63  }
0xe0: {  	s19 =	simm.s32 $0x4A00;
	v3 =	vperm.xlane v3, v2  }
0xe1: {  	[tilespmem:s19], [sflag:$0x2] =	stream.indirect_vreg.gather [hbm4b:s12+s5], $0x80, v4, vm0, $0xb8;
	[tilespmem:$0x18200] =	vst v63  }
0xe2: {  	s20 =	simm.s32 $0x5200;
	v3 =	vadd.s32 v1, v3  }
0xe3: {  	[tilespmem:s20], [sflag:$0x2] =	stream.indirect_vreg.gather [hbm4b:s13+s5], $0x80, v4, vm0, $0xb8;
	[tilespmem:$0x18200] =	vst v63  }
0xe4: {  	s29 =	simm.s32 $0x5A00  }
0xe5: {  	[tilespmem:s29], [sflag:$0x2] =	stream.indirect_vreg.gather [hbm4b:s14+s5], $0x80, v4, vm0, $0xb8;
	[tilespmem:$0x18200] =	vst v63  }
0xe6: {  	s30 =	sadd.s32 $0x30, s8  }
0xe7: {  	[tilespmem:s1], [sflag:$0x2] =	stream.indirect_vreg.gather [hbm4b:s3+s5], $0x80, v3, vm0, $0xb8;
	[tilespmem:$0x18200] =	vst v63  }
0xe8: {  	s0 =	sadd.s32 s9, s30  }
0xe9: {  	[tilespmem:s16], [sflag:$0x2] =	stream.indirect_vreg.gather [hbm4b:s12+s5], $0x80, v3, vm0, $0xb8;
	[tilespmem:$0x18200] =	vst v63  }
0xea: {  	s0 =	sshll.u32 s0, $0xA  }
0xeb: {  	[tilespmem:s18], [sflag:$0x2] =	stream.indirect_vreg.gather [hbm4b:s13+s5], $0x80, v3, vm0, $0xb8;
	[tilespmem:$0x18200] =	vst v63  }
.Ltmp7:
0xec: {  	s0 =	sadd.s32 s6, s0;
	(pc) =	sbr.rel .LBB2_2-.Ltmp7, $4  }
0xed: {  	s0 =	sshrl.u32 s0, $0x3  }
0xee: {  	[tilespmem:s21], [sflag:$0x2] =	stream.indirect_vreg.gather [hbm4b:s14+s5], $0x80, v3, vm0, $0xb8;
	[tilespmem:$0x18200] =	vst v63  }
0xef: {  	s31 =	simm.s32 $0xC200;
	s15 =	sadd.s32 $0x1, s15;
	s0 =	sadd.s32 s2, s0  }
0xf0: {  	[tilespmem:s31], [sflag:$0x4] =	stream.linear.gather [hbm4b:s0+s5], $0x4000, $0x38;
	[tilespmem:$0x18200] =	vst v63  }
.LBB2_13:
0xf1: {  	_ =	sfence.sel $0x180000  }
0xf2: {  	[bflag:$0x0] =	sbarrier.arrive $0xFFFF  }
0xf3: {  	_ =	strace $0x90000047  }
0xf4: {  	s0 =	stileid.u32;
	[bflag:$0x2] =	sbarrier.arrive $0xFFFF  }
0xf5: {  	p0 =	sne.s32 s0, $0x0;
	s0 =	rddreg [dreg:$0x4]  }
0xf6: {  	s0 =	sadd.s32 @!p0 $0x100000, s0  }
0xf7: {  	[sflag:s0] =	ssyncadd.tile.s32 @!p0 $0x1;
	_ =	shalt  }
.Lfunc_end2:
_tile_overlayer_lowered:
.L_overlay_start_2:
0xf8: {  	(tag) =	ssettag $0x2  }
0xf9: {  	s0 =	rddreg [dreg:$0x0];
	s2 =	stileid.u32  }
0xfa: {  	s1 =	rddreg [dreg:$0x1];
	p0 =	sne.s32 s2, $0x0  }
0xfb: {  	s3 =	rddreg [dreg:$0x2];
	[bflag:$0x3] =	sbarrier.arrive $0xFFFF;
	s2 =	simm.s32 @!p0 $0x1C07  }
0xfc: {  	[timem:s3], [sflag:s2] =	dma.local @!p0 [hbm:s0], s1  }
0xfd: {  	s0 =	simm.s32 @!p0 $0x7  }
0xfe: {  	_ =	swait.ge @!p0 [sflag:s0], s1  }
0xff: {  	s1 =	ssub.s32 @!p0 $0x0, s1;
	[sflag:s0] =	ssyncset.done @!p0 $0x0  }
0x100: {  	[sflag:s0] =	ssyncadd.s32 @!p0 s1  }
0x101: {  	[bflag:$0x3] =	sbarrier.arrive $0xFFFF  }
0x102: {  	_ =	shalt  }

</sc_bundles>
